<compile_context>
chip_gen: v7x
topology: tpu7x:2x2x1
jax: 0.10.2.dev20260603
libtpu: 0.0.44.dev20260713+nightly
codegen_flags: <defaults>
</compile_context>

<pallas_src>
import jax
import jax.numpy as jnp
from jax import lax
from jax.experimental import pallas as pl
from jax.experimental.pallas import tpu as pltpu
from jax.experimental.pallas import tpu_sc as plsc

N = 10000
E = 160000
IND = 256
HID = 512
OUT = 64
H = 4
EPS = 1e-5

ROW_BLK = 5000
NB = N // ROW_BLK

CHUNK = 128
NSUB = 16
NCHUNK = -(-E // (CHUNK * NSUB)) * NSUB
E_PAD = NCHUNK * CHUNK
CPT = NCHUNK // NSUB
R_AGG = 10112



def _gram_affine_body(h_ref, w1_ref, g1_ref, b1_ref, a_ref, c_ref,
                      g_acc, s_acc):
    @pl.when(pl.program_id(0) == 0)
    def _():
        g_acc[...] = jnp.zeros_like(g_acc)
        s_acc[...] = jnp.zeros_like(s_acc)

    hb = h_ref[...]
    g_acc[...] += lax.dot_general(hb, hb, (((0,), (0,)), ((), ())),
                                  preferred_element_type=jnp.float32)
    s_acc[...] += jnp.sum(hb, axis=0, keepdims=True)

    @pl.when(pl.program_id(0) == NB - 1)
    def _():
        g = g_acc[...]
        s = s_acc[...]
        for i in range(H):
            w = w1_ref[i]
            gw = jnp.dot(g, w, preferred_element_type=jnp.float32)
            m2 = jnp.sum(w * gw, axis=0, keepdims=True) / N
            mu = jnp.dot(s, w, preferred_element_type=jnp.float32) / N
            rstd = lax.rsqrt(m2 - mu * mu + EPS)
            a = g1_ref[i] * rstd
            a_ref[i] = a
            c_ref[i] = b1_ref[i] - mu * a


def _mlp_body(h_ref, w1_ref, a_ref, c_ref, w2_ref, z_ref):
    hb = h_ref[...].astype(jnp.bfloat16)
    for i in range(H):
        t = jnp.dot(hb, w1_ref[i].astype(jnp.bfloat16),
                    preferred_element_type=jnp.float32)
        y = jnp.maximum(t * a_ref[i] + c_ref[i], 0.0)
        z_ref[:, i * OUT:(i + 1) * OUT] = jnp.dot(
            y.astype(jnp.bfloat16), w2_ref[i].astype(jnp.bfloat16),
            preferred_element_type=jnp.float32)


def _aggstat_body(a_ref, s1_ref, s2_ref):
    @pl.when(pl.program_id(0) == 0)
    def _():
        s1_ref[...] = jnp.zeros_like(s1_ref)
        s2_ref[...] = jnp.zeros_like(s2_ref)

    ab = a_ref[...]
    s1_ref[...] += jnp.sum(ab, axis=1, keepdims=True)
    s2_ref[...] += jnp.sum(ab * ab, axis=1, keepdims=True)


def _final_body(a_ref, s1_ref, s2_ref, g_ref, b_ref, h_ref, o_ref):
    mu = s1_ref[...] / N
    rstd = lax.rsqrt(s2_ref[...] / N - mu * mu + EPS)
    y = jnp.maximum((a_ref[...] - mu) * (rstd * g_ref[...]) + b_ref[...], 0.0)
    o_ref[...] = h_ref[...] + jnp.concatenate([y[0], y[1]], axis=1)



def _segsum_body(zt_hbm, idx_hbm, zeros_hbm, out_hbm,
                 idx_v, rows, agg_sh, gsem, ssem, isem):
    cid = lax.axis_index("c")
    sid = lax.axis_index("s")
    base = cid * NCHUNK + sid * CPT

    def start_idx(j, b):
        pltpu.async_copy(idx_hbm.at[base + j], idx_v[b], isem[b])

    def wait_idx(j, b):
        pltpu.make_async_copy(idx_hbm.at[base + j], idx_v[b], isem[b]).wait()

    def start_gather(b, r):
        pltpu.async_copy(zt_hbm.at[idx_v[b].at[0]], rows[r], gsem)

    def wait_gather(b, r):
        pltpu.make_async_copy(zt_hbm.at[idx_v[b].at[0]], rows[r],
                              gsem).wait()

    def start_scatter(b, r):
        pltpu.async_copy(rows[r], agg_sh.at[idx_v[b].at[1]], ssem, add=True)

    def wait_scatter(b, r):
        pltpu.make_async_copy(rows[r], agg_sh.at[idx_v[b].at[1]],
                              ssem).wait()

    zrows = R_AGG // NSUB
    for b in range(4):
        start_idx(b, b)
    pltpu.sync_copy(zeros_hbm.at[pl.ds(sid * zrows, zrows)],
                    agg_sh.at[pl.ds(sid * zrows, zrows)])
    wait_idx(0, 0)
    start_gather(0, 0)
    plsc.subcore_barrier()

    def half(j, b):
        r = b % 2
        wait_gather(b, r)

        @pl.when(j > 0)
        def _():
            wait_scatter((b + 3) % 4, 1 - r)

            @pl.when(j + 3 < CPT)
            def _():
                start_idx(j + 3, (b + 3) % 4)

        start_scatter(b, r)

        @pl.when(j + 1 < CPT)
        def _():
            wait_idx(j + 1, (b + 1) % 4)
            start_gather((b + 1) % 4, 1 - r)

    def body(k, carry):
        for b in range(4):
            j = 4 * k + b

            @pl.when(j < CPT)
            def _():
                half(j, b)

        return carry

    lax.fori_loop(0, (CPT + 3) // 4, body, 0)
    wait_scatter((CPT - 1) % 4, (CPT - 1) % 2)
    plsc.subcore_barrier()

    pltpu.sync_copy(agg_sh.at[pl.ds(sid * zrows, zrows)],
                    out_hbm.at[cid, pl.ds(sid * zrows, zrows)])



@jax.jit
def kernel(h, e, edge_index, W1, g1, b1, W2, gh, bh):
    f32 = jnp.float32

    a1, c1 = pl.pallas_call(
        _gram_affine_body,
        grid=(NB,),
        in_specs=[pl.BlockSpec((ROW_BLK, IND), lambda i: (i, 0)),
                  pl.BlockSpec((H, IND, HID), lambda i: (0, 0, 0)),
                  pl.BlockSpec((H, 1, HID), lambda i: (0, 0, 0)),
                  pl.BlockSpec((H, 1, HID), lambda i: (0, 0, 0))],
        out_specs=[pl.BlockSpec((H, 1, HID), lambda i: (0, 0, 0)),
                   pl.BlockSpec((H, 1, HID), lambda i: (0, 0, 0))],
        out_shape=[jax.ShapeDtypeStruct((H, 1, HID), f32),
                   jax.ShapeDtypeStruct((H, 1, HID), f32)],
        scratch_shapes=[pltpu.VMEM((IND, IND), f32),
                        pltpu.VMEM((1, IND), f32)],
    )(h, W1, g1.reshape(H, 1, HID), b1.reshape(H, 1, HID))

    z_all = pl.pallas_call(
        _mlp_body,
        grid=(NB,),
        in_specs=[pl.BlockSpec((ROW_BLK, IND), lambda i: (i, 0)),
                  pl.BlockSpec((H, IND, HID), lambda i: (0, 0, 0)),
                  pl.BlockSpec((H, 1, HID), lambda i: (0, 0, 0)),
                  pl.BlockSpec((H, 1, HID), lambda i: (0, 0, 0)),
                  pl.BlockSpec((H, HID, OUT), lambda i: (0, 0, 0))],
        out_specs=pl.BlockSpec((ROW_BLK, H * OUT), lambda i: (i, 0)),
        out_shape=jax.ShapeDtypeStruct((N, H * OUT), f32),
    )(h, W1, a1, c1, W2)

    src = edge_index[0]
    dst = edge_index[1]
    pad = E_PAD - E
    srcp = jnp.concatenate([src, jnp.zeros((pad,), jnp.int32)])
    dstp = jnp.concatenate(
        [dst, jnp.full((pad,), R_AGG - 1, jnp.int32)]).reshape(NCHUNK, CHUNK)
    g0 = (2 * srcp).reshape(NCHUNK, CHUNK)
    idx = jnp.stack([jnp.stack([g0, dstp], axis=1),
                     jnp.stack([g0 + 1, dstp], axis=1)])
    idx = idx.reshape(2 * NCHUNK, 2, CHUNK)
    zt = z_all.reshape(2 * N, 128)
    zeros = jnp.zeros((R_AGG, 128), f32)

    mesh = plsc.VectorSubcoreMesh(core_axis_name="c", subcore_axis_name="s")
    agg2 = pl.kernel(
        _segsum_body,
        out_type=jax.ShapeDtypeStruct((2, R_AGG, 128), f32),
        mesh=mesh,
        scratch_types=[
            [pltpu.VMEM((2, CHUNK), jnp.int32) for _ in range(4)],
            [pltpu.VMEM((CHUNK, 128), f32) for _ in range(2)],
            pltpu.VMEM_SHARED((R_AGG, 128), f32),
            pltpu.SemaphoreType.DMA,
            pltpu.SemaphoreType.DMA,
            [pltpu.SemaphoreType.DMA for _ in range(4)],
        ],
    )(zt, idx, zeros)

    s1, s2 = pl.pallas_call(
        _aggstat_body,
        grid=(NB,),
        in_specs=[pl.BlockSpec((2, ROW_BLK, 128), lambda i: (0, i, 0))],
        out_specs=[pl.BlockSpec((2, 1, 128), lambda i: (0, 0, 0)),
                   pl.BlockSpec((2, 1, 128), lambda i: (0, 0, 0))],
        out_shape=[jax.ShapeDtypeStruct((2, 1, 128), f32),
                   jax.ShapeDtypeStruct((2, 1, 128), f32)],
    )(agg2)

    ghr = gh.reshape(2, 1, 128)
    bhr = bh.reshape(2, 1, 128)
    out = pl.pallas_call(
        _final_body,
        grid=(NB,),
        in_specs=[pl.BlockSpec((2, ROW_BLK, 128), lambda i: (0, i, 0)),
                  pl.BlockSpec((2, 1, 128), lambda i: (0, 0, 0)),
                  pl.BlockSpec((2, 1, 128), lambda i: (0, 0, 0)),
                  pl.BlockSpec((2, 1, 128), lambda i: (0, 0, 0)),
                  pl.BlockSpec((2, 1, 128), lambda i: (0, 0, 0)),
                  pl.BlockSpec((ROW_BLK, IND), lambda i: (i, 0))],
        out_specs=pl.BlockSpec((ROW_BLK, IND), lambda i: (i, 0)),
        out_shape=jax.ShapeDtypeStruct((N, IND), f32),
    )(agg2, s1, s2, ghr, bhr, h)

    return (out, e)

# --- scband reference (transcript-rebuilt; emitter-appended) ---
"""Pipeline reference for scband-gatlayer-isotropic-11914239279937 (READ-ONLY COPY).

The authoritative reference and input builder live on the scoring server;
editing this copy changes nothing except your own understanding.
"""

import jax, jax.numpy as jnp
import numpy as np

N = 10000
E = 160000
IND = 256
HID = 512
OUT = 64
H = 4
D_EDGE = 16


def setup_inputs(seed: int = 0) -> dict:
    key = jax.random.key(seed)
    ks = jax.random.split(key, 6)
    h = jax.random.normal(ks[0], (N, IND), dtype=jnp.float32)
    e = jax.random.normal(ks[1], (E, D_EDGE), dtype=jnp.float32)
    edge_index = jax.random.randint(ks[2], (2, E), 0, N).astype(jnp.int32)
    # per-head MLP params (MultiLinearLayer with n_mlp_layer=2, bias=False):
    # Linear(IND->HID) -> BatchNorm(HID) -> ReLU -> Linear(HID->OUT)
    W1 = jax.random.normal(ks[3], (H, IND, HID), dtype=jnp.float32) * (1.0 / np.sqrt(IND))
    g1 = jnp.ones((H, HID), dtype=jnp.float32)
    b1 = jnp.zeros((H, HID), dtype=jnp.float32)
    W2 = jax.random.normal(ks[4], (H, HID, OUT), dtype=jnp.float32) * (1.0 / np.sqrt(HID))
    # per-head output BatchNorm1d(OUT) params
    gh = jnp.ones((H, OUT), dtype=jnp.float32)
    bh = jnp.zeros((H, OUT), dtype=jnp.float32)
    return {"h": h, "e": e, "edge_index": edge_index,
            "W1": W1, "g1": g1, "b1": b1, "W2": W2, "gh": gh, "bh": bh}


def _bn(x, gamma, beta, eps=1e-5):
    # training-mode BatchNorm1d over the node/batch axis
    mu = jnp.mean(x, axis=0)
    var = jnp.var(x, axis=0)
    return (x - mu) / jnp.sqrt(var + eps) * gamma + beta


def reference(h, e, edge_index, W1, g1, b1, W2, gh, bh):
    src = edge_index[0]
    dst = edge_index[1]
    head_outs = []
    for i in range(H):
        # MultiLinearLayer (2 layers, bias=False, batch_norm=True, relu)
        z = h @ W1[i]
        z = jax.nn.relu(_bn(z, g1[i], b1[i]))
        z = z @ W2[i]
        # message passing: copy src -> sum-reduce at dst
        agg = jax.ops.segment_sum(z[src], dst, num_segments=N)
        # batchnorm_h + activation (dropout p=0.0 is identity)
        agg = jax.nn.relu(_bn(agg, gh[i], bh[i]))
        head_outs.append(agg)
    out = jnp.concatenate(head_outs, axis=1)
    # residual: indim == outdim * num_heads (256 == 64*4)
    out = h + out
    return (out, e)

if __name__ == "__main__":
    import jax
    _d = setup_inputs()
    print(jax.jit(kernel)(*tuple(_d.values())))

</pallas_src>

<mosaic_0001>
#map = affine_map<(d0, d1) -> (0, 0)>
#map1 = affine_map<(d0, d1) -> (0, 0, 0)>
module attributes {stable_mosaic.version = 14 : i64} {
  func.func @_segsum_body(%arg0: i32, %arg1: i32, %arg2: memref<20000x128xf32, #tpu.memory_space<hbm>>, %arg3: memref<2528x2x128xi32, #tpu.memory_space<hbm>>, %arg4: memref<10112x128xf32, #tpu.memory_space<hbm>>, %arg5: memref<2x10112x128xf32, #tpu.memory_space<hbm>>, %arg6: memref<2x128xi32, #tpu.memory_space<vmem>>, %arg7: memref<2x128xi32, #tpu.memory_space<vmem>>, %arg8: memref<2x128xi32, #tpu.memory_space<vmem>>, %arg9: memref<2x128xi32, #tpu.memory_space<vmem>>, %arg10: memref<128x128xf32, #tpu.memory_space<vmem>>, %arg11: memref<128x128xf32, #tpu.memory_space<vmem>>, %arg12: memref<10112x128xf32, #tpu.memory_space<vmem_shared>>, %arg13: memref<!tpu.dma_semaphore, #tpu.memory_space<semaphore_mem>>, %arg14: memref<!tpu.dma_semaphore, #tpu.memory_space<semaphore_mem>>, %arg15: memref<!tpu.dma_semaphore, #tpu.memory_space<semaphore_mem>>, %arg16: memref<!tpu.dma_semaphore, #tpu.memory_space<semaphore_mem>>, %arg17: memref<!tpu.dma_semaphore, #tpu.memory_space<semaphore_mem>>, %arg18: memref<!tpu.dma_semaphore, #tpu.memory_space<semaphore_mem>>) attributes {dimension_semantics = [#tpu.dimension_semantics<core_parallel>, #tpu.dimension_semantics<subcore_parallel>], iteration_bounds = array<i64: 2, 16>, scalar_prefetch = 0 : i64, scratch_operands = 13 : i64, tpu.core_type = #tpu.core_type<sc_vector_subcore>, window_params = [{transform_indices = #map}, {transform_indices = #map1}, {transform_indices = #map}, {transform_indices = #map1}]} {
    %mul3A = arith.constant 1264 : i32
    %mul3A_0 = arith.muli %arg0, %mul3A : i32
    %mul3A_1 = arith.constant 79 : i32
    %mul3A_2 = arith.muli %arg1, %mul3A_1 : i32
    %add3A = arith.addi %mul3A_0, %mul3A_2 : i32
    %add3A_3 = arith.constant 0 : i32
    %add3A_4 = arith.addi %add3A, %add3A_3 : i32
    %dma_start3A = arith.constant 0 : i32
    %dma_start3A_5 = arith.constant 0 : i32
    %dma_start3A_6 = tpu.memref_slice %arg3[%add3A_4, %dma_start3A, %dma_start3A_5] : memref<2528x2x128xi32, #tpu.memory_space<hbm>> -> memref<1x2x128xi32, #tpu.memory_space<hbm>>
    %dma_start3A_7 = tpu.memref_squeeze %dma_start3A_6 : memref<1x2x128xi32, #tpu.memory_space<hbm>> -> memref<2x128xi32, #tpu.memory_space<hbm>>
    %dma_start3A_8 = arith.constant 0 : i32
    %dma_start3A_9 = arith.constant 0 : i32
    %dma_start3A_10 = tpu.memref_slice %arg3[%add3A_4, %dma_start3A_8, %dma_start3A_9] : memref<2528x2x128xi32, #tpu.memory_space<hbm>> -> memref<1x2x128xi32, #tpu.memory_space<hbm>>
    %dma_start3A_11 = tpu.memref_squeeze %dma_start3A_10 : memref<1x2x128xi32, #tpu.memory_space<hbm>> -> memref<2x128xi32, #tpu.memory_space<hbm>>
    tpu.enqueue_dma source(%dma_start3A_11 : memref<2x128xi32, #tpu.memory_space<hbm>>) target(%arg6 : memref<2x128xi32, #tpu.memory_space<vmem>>) target_semaphore(%arg15 : memref<!tpu.dma_semaphore, #tpu.memory_space<semaphore_mem>>)
    %add3A_12 = arith.constant 1 : i32
    %add3A_13 = arith.addi %add3A, %add3A_12 : i32
    %dma_start3A_14 = arith.constant 0 : i32
    %dma_start3A_15 = arith.constant 0 : i32
    %dma_start3A_16 = tpu.memref_slice %arg3[%add3A_13, %dma_start3A_14, %dma_start3A_15] : memref<2528x2x128xi32, #tpu.memory_space<hbm>> -> memref<1x2x128xi32, #tpu.memory_space<hbm>>
    %dma_start3A_17 = tpu.memref_squeeze %dma_start3A_16 : memref<1x2x128xi32, #tpu.memory_space<hbm>> -> memref<2x128xi32, #tpu.memory_space<hbm>>
    %dma_start3A_18 = arith.constant 0 : i32
    %dma_start3A_19 = arith.constant 0 : i32
    %dma_start3A_20 = tpu.memref_slice %arg3[%add3A_13, %dma_start3A_18, %dma_start3A_19] : memref<2528x2x128xi32, #tpu.memory_space<hbm>> -> memref<1x2x128xi32, #tpu.memory_space<hbm>>
    %dma_start3A_21 = tpu.memref_squeeze %dma_start3A_20 : memref<1x2x128xi32, #tpu.memory_space<hbm>> -> memref<2x128xi32, #tpu.memory_space<hbm>>
    tpu.enqueue_dma source(%dma_start3A_21 : memref<2x128xi32, #tpu.memory_space<hbm>>) target(%arg7 : memref<2x128xi32, #tpu.memory_space<vmem>>) target_semaphore(%arg16 : memref<!tpu.dma_semaphore, #tpu.memory_space<semaphore_mem>>)
    %add3A_22 = arith.constant 2 : i32
    %add3A_23 = arith.addi %add3A, %add3A_22 : i32
    %dma_start3A_24 = arith.constant 0 : i32
    %dma_start3A_25 = arith.constant 0 : i32
    %dma_start3A_26 = tpu.memref_slice %arg3[%add3A_23, %dma_start3A_24, %dma_start3A_25] : memref<2528x2x128xi32, #tpu.memory_space<hbm>> -> memref<1x2x128xi32, #tpu.memory_space<hbm>>
    %dma_start3A_27 = tpu.memref_squeeze %dma_start3A_26 : memref<1x2x128xi32, #tpu.memory_space<hbm>> -> memref<2x128xi32, #tpu.memory_space<hbm>>
    %dma_start3A_28 = arith.constant 0 : i32
    %dma_start3A_29 = arith.constant 0 : i32
    %dma_start3A_30 = tpu.memref_slice %arg3[%add3A_23, %dma_start3A_28, %dma_start3A_29] : memref<2528x2x128xi32, #tpu.memory_space<hbm>> -> memref<1x2x128xi32, #tpu.memory_space<hbm>>
    %dma_start3A_31 = tpu.memref_squeeze %dma_start3A_30 : memref<1x2x128xi32, #tpu.memory_space<hbm>> -> memref<2x128xi32, #tpu.memory_space<hbm>>
    tpu.enqueue_dma source(%dma_start3A_31 : memref<2x128xi32, #tpu.memory_space<hbm>>) target(%arg8 : memref<2x128xi32, #tpu.memory_space<vmem>>) target_semaphore(%arg17 : memref<!tpu.dma_semaphore, #tpu.memory_space<semaphore_mem>>)
    %add3A_32 = arith.constant 3 : i32
    %add3A_33 = arith.addi %add3A, %add3A_32 : i32
    %dma_start3A_34 = arith.constant 0 : i32
    %dma_start3A_35 = arith.constant 0 : i32
    %dma_start3A_36 = tpu.memref_slice %arg3[%add3A_33, %dma_start3A_34, %dma_start3A_35] : memref<2528x2x128xi32, #tpu.memory_space<hbm>> -> memref<1x2x128xi32, #tpu.memory_space<hbm>>
    %dma_start3A_37 = tpu.memref_squeeze %dma_start3A_36 : memref<1x2x128xi32, #tpu.memory_space<hbm>> -> memref<2x128xi32, #tpu.memory_space<hbm>>
    %dma_start3A_38 = arith.constant 0 : i32
    %dma_start3A_39 = arith.constant 0 : i32
    %dma_start3A_40 = tpu.memref_slice %arg3[%add3A_33, %dma_start3A_38, %dma_start3A_39] : memref<2528x2x128xi32, #tpu.memory_space<hbm>> -> memref<1x2x128xi32, #tpu.memory_space<hbm>>
    %dma_start3A_41 = tpu.memref_squeeze %dma_start3A_40 : memref<1x2x128xi32, #tpu.memory_space<hbm>> -> memref<2x128xi32, #tpu.memory_space<hbm>>
    tpu.enqueue_dma source(%dma_start3A_41 : memref<2x128xi32, #tpu.memory_space<hbm>>) target(%arg9 : memref<2x128xi32, #tpu.memory_space<vmem>>) target_semaphore(%arg18 : memref<!tpu.dma_semaphore, #tpu.memory_space<semaphore_mem>>)
    %mul3A_42 = arith.constant 632 : i32
    %mul3A_43 = arith.muli %arg1, %mul3A_42 : i32
    %mul3A_44 = arith.constant 632 : i32
    %mul3A_45 = arith.muli %arg1, %mul3A_44 : i32
    "tpu.region"() ({
      %run_scoped3A = tpu.sem_alloc : memref<!tpu.dma_semaphore, #tpu.memory_space<semaphore_mem>>
      %dma_start3A_79 = arith.constant 0 : i32
      %dma_start3A_80 = tpu.memref_slice %arg12[%mul3A_45, %dma_start3A_79] : memref<10112x128xf32, #tpu.memory_space<vmem_shared>> -> memref<632x128xf32, #tpu.memory_space<vmem_shared>>
      %dma_start3A_81 = arith.constant 0 : i32
      %dma_start3A_82 = tpu.memref_slice %arg4[%mul3A_43, %dma_start3A_81] : memref<10112x128xf32, #tpu.memory_space<hbm>> -> memref<632x128xf32, #tpu.memory_space<hbm>>
      tpu.enqueue_dma source(%dma_start3A_82 : memref<632x128xf32, #tpu.memory_space<hbm>>) target(%dma_start3A_80 : memref<632x128xf32, #tpu.memory_space<vmem_shared>>) target_semaphore(%run_scoped3A : memref<!tpu.dma_semaphore, #tpu.memory_space<semaphore_mem>>)
      %dma_wait3A_83 = arith.constant 0 : i32
      %dma_wait3A_84 = tpu.memref_slice %arg12[%mul3A_45, %dma_wait3A_83] : memref<10112x128xf32, #tpu.memory_space<vmem_shared>> -> memref<632x128xf32, #tpu.memory_space<vmem_shared>>
      %dma_wait3A_85 = arith.constant 0 : i32
      %dma_wait3A_86 = tpu.memref_slice %arg4[%mul3A_43, %dma_wait3A_85] : memref<10112x128xf32, #tpu.memory_space<hbm>> -> memref<632x128xf32, #tpu.memory_space<hbm>>
      tpu.wait_dma2 semaphore(%run_scoped3A : memref<!tpu.dma_semaphore, #tpu.memory_space<semaphore_mem>>) src(%dma_wait3A_86 : memref<632x128xf32, #tpu.memory_space<hbm>>) dst(%dma_wait3A_84 : memref<632x128xf32, #tpu.memory_space<vmem_shared>>)
      tpu.yield
    }) : () -> ()
    %add3A_46 = arith.constant 0 : i32
    %add3A_47 = arith.addi %add3A, %add3A_46 : i32
    %dma_wait3A = arith.constant 0 : i32
    %dma_wait3A_48 = arith.constant 0 : i32
    %dma_wait3A_49 = tpu.memref_slice %arg3[%add3A_47, %dma_wait3A, %dma_wait3A_48] : memref<2528x2x128xi32, #tpu.memory_space<hbm>> -> memref<1x2x128xi32, #tpu.memory_space<hbm>>
    %dma_wait3A_50 = tpu.memref_squeeze %dma_wait3A_49 : memref<1x2x128xi32, #tpu.memory_space<hbm>> -> memref<2x128xi32, #tpu.memory_space<hbm>>
    %dma_wait3A_51 = arith.constant 0 : i32
    %dma_wait3A_52 = arith.constant 0 : i32
    %dma_wait3A_53 = tpu.memref_slice %arg3[%add3A_47, %dma_wait3A_51, %dma_wait3A_52] : memref<2528x2x128xi32, #tpu.memory_space<hbm>> -> memref<1x2x128xi32, #tpu.memory_space<hbm>>
    %dma_wait3A_54 = tpu.memref_squeeze %dma_wait3A_53 : memref<1x2x128xi32, #tpu.memory_space<hbm>> -> memref<2x128xi32, #tpu.memory_space<hbm>>
    tpu.wait_dma2 semaphore(%arg15 : memref<!tpu.dma_semaphore, #tpu.memory_space<semaphore_mem>>) src(%dma_wait3A_54 : memref<2x128xi32, #tpu.memory_space<hbm>>) dst(%arg6 : memref<2x128xi32, #tpu.memory_space<vmem>>)
    %dma_start3A_55 = arith.constant 0 : i32
    %dma_start3A_56 = arith.constant 0 : i32
    %dma_start3A_57 = tpu.memref_slice %arg6[%dma_start3A_55, %dma_start3A_56] : memref<2x128xi32, #tpu.memory_space<vmem>> -> memref<1x128xi32, #tpu.memory_space<vmem>>
    %dma_start3A_58 = tpu.memref_squeeze %dma_start3A_57 : memref<1x128xi32, #tpu.memory_space<vmem>> -> memref<128xi32, #tpu.memory_space<vmem>>
    %dma_start3A_59 = arith.constant 0 : i32
    %dma_start3A_60 = arith.constant 0 : i32
    %dma_start3A_61 = tpu.memref_slice %arg2[%dma_start3A_59, %dma_start3A_60] : memref<20000x128xf32, #tpu.memory_space<hbm>> -> memref<20000x128xf32, #tpu.memory_space<hbm>>
    tpu.enqueue_indirect_dma source(%dma_start3A_61 : memref<20000x128xf32, #tpu.memory_space<hbm>>) target(%arg10 : memref<128x128xf32, #tpu.memory_space<vmem>>) offsets(%dma_start3A_58 : memref<128xi32, #tpu.memory_space<vmem>>) semaphore(%arg13 : memref<!tpu.dma_semaphore, #tpu.memory_space<semaphore_mem>>)
    %barrier3A = arith.constant 0 : index
    tpu.barrier barrier_id(%barrier3A)
    %scan3A = arith.constant 0 : i32
    %scan3A_62 = arith.constant 0 : i32
    %scan3A_63 = arith.constant 20 : i32
    %scan3A_64 = arith.addi %scan3A_62, %scan3A_63 : i32
    %scan3A_65 = arith.constant 1 : i32
    scf.for %scan3A_79 = %scan3A_62 to %scan3A_64 step %scan3A_65  : i32 {
      %mul3A_80 = arith.constant 4 : i32
      %mul3A_81 = arith.muli %mul3A_80, %scan3A_79 : i32
      %add3A_82 = arith.constant 0 : i32
      %add3A_83 = arith.addi %mul3A_81, %add3A_82 : i32
      %lt3A = arith.constant 79 : i32
      %lt3A_84 = arith.cmpi slt, %add3A_83, %lt3A : i32
      %convert_element_type3A = arith.extui %lt3A_84 : i1 to i32
      %cond3A = arith.constant 0 : i32
      %cond3A_85 = arith.cmpi ne, %convert_element_type3A, %cond3A : i32
      scf.if %cond3A_85 {
        %dma_wait3A_113 = arith.constant 0 : i32
        %dma_wait3A_114 = arith.constant 0 : i32
        %dma_wait3A_115 = tpu.memref_slice %arg6[%dma_wait3A_113, %dma_wait3A_114] : memref<2x128xi32, #tpu.memory_space<vmem>> -> memref<1x128xi32, #tpu.memory_space<vmem>>
        %dma_wait3A_116 = tpu.memref_squeeze %dma_wait3A_115 : memref<1x128xi32, #tpu.memory_space<vmem>> -> memref<128xi32, #tpu.memory_space<vmem>>
        %dma_wait3A_117 = arith.constant 0 : i32
        %dma_wait3A_118 = arith.constant 0 : i32
        %dma_wait3A_119 = tpu.memref_slice %arg2[%dma_wait3A_117, %dma_wait3A_118] : memref<20000x128xf32, #tpu.memory_space<hbm>> -> memref<20000x128xf32, #tpu.memory_space<hbm>>
        tpu.wait_indirect_dma semaphore(%arg13 : memref<!tpu.dma_semaphore, #tpu.memory_space<semaphore_mem>>) src(%dma_wait3A_119 : memref<20000x128xf32, #tpu.memory_space<hbm>>) dst(%arg10 : memref<128x128xf32, #tpu.memory_space<vmem>>)
        %gt3A = arith.constant 0 : i32
        %gt3A_120 = arith.cmpi sgt, %add3A_83, %gt3A : i32
        %convert_element_type3A_121 = arith.extui %gt3A_120 : i1 to i32
        %cond3A_122 = arith.constant 0 : i32
        %cond3A_123 = arith.cmpi ne, %convert_element_type3A_121, %cond3A_122 : i32
        scf.if %cond3A_123 {
          %dma_wait3A_138 = arith.constant 1 : i32
          %dma_wait3A_139 = arith.constant 0 : i32
          %dma_wait3A_140 = tpu.memref_slice %arg9[%dma_wait3A_138, %dma_wait3A_139] : memref<2x128xi32, #tpu.memory_space<vmem>> -> memref<1x128xi32, #tpu.memory_space<vmem>>
          %dma_wait3A_141 = tpu.memref_squeeze %dma_wait3A_140 : memref<1x128xi32, #tpu.memory_space<vmem>> -> memref<128xi32, #tpu.memory_space<vmem>>
          %dma_wait3A_142 = arith.constant 0 : i32
          %dma_wait3A_143 = arith.constant 0 : i32
          %dma_wait3A_144 = tpu.memref_slice %arg12[%dma_wait3A_142, %dma_wait3A_143] : memref<10112x128xf32, #tpu.memory_space<vmem_shared>> -> memref<10112x128xf32, #tpu.memory_space<vmem_shared>>
          tpu.wait_indirect_dma semaphore(%arg14 : memref<!tpu.dma_semaphore, #tpu.memory_space<semaphore_mem>>) src(%arg11 : memref<128x128xf32, #tpu.memory_space<vmem>>) dst(%dma_wait3A_144 : memref<10112x128xf32, #tpu.memory_space<vmem_shared>>)
          %add3A_145 = arith.constant 3 : i32
          %add3A_146 = arith.addi %add3A_83, %add3A_145 : i32
          %lt3A_147 = arith.constant 79 : i32
          %lt3A_148 = arith.cmpi slt, %add3A_146, %lt3A_147 : i32
          %convert_element_type3A_149 = arith.extui %lt3A_148 : i1 to i32
          %cond3A_150 = arith.constant 0 : i32
          %cond3A_151 = arith.cmpi ne, %convert_element_type3A_149, %cond3A_150 : i32
          scf.if %cond3A_151 {
            %add3A_152 = arith.constant 3 : i32
            %add3A_153 = arith.addi %add3A_83, %add3A_152 : i32
            %add3A_154 = arith.addi %add3A, %add3A_153 : i32
            %dma_start3A_155 = arith.constant 0 : i32
            %dma_start3A_156 = arith.constant 0 : i32
            %dma_start3A_157 = tpu.memref_slice %arg3[%add3A_154, %dma_start3A_155, %dma_start3A_156] : memref<2528x2x128xi32, #tpu.memory_space<hbm>> -> memref<1x2x128xi32, #tpu.memory_space<hbm>>
            %dma_start3A_158 = tpu.memref_squeeze %dma_start3A_157 : memref<1x2x128xi32, #tpu.memory_space<hbm>> -> memref<2x128xi32, #tpu.memory_space<hbm>>
            %dma_start3A_159 = arith.constant 0 : i32
            %dma_start3A_160 = arith.constant 0 : i32
            %dma_start3A_161 = tpu.memref_slice %arg3[%add3A_154, %dma_start3A_159, %dma_start3A_160] : memref<2528x2x128xi32, #tpu.memory_space<hbm>> -> memref<1x2x128xi32, #tpu.memory_space<hbm>>
            %dma_start3A_162 = tpu.memref_squeeze %dma_start3A_161 : memref<1x2x128xi32, #tpu.memory_space<hbm>> -> memref<2x128xi32, #tpu.memory_space<hbm>>
            tpu.enqueue_dma source(%dma_start3A_162 : memref<2x128xi32, #tpu.memory_space<hbm>>) target(%arg9 : memref<2x128xi32, #tpu.memory_space<vmem>>) target_semaphore(%arg18 : memref<!tpu.dma_semaphore, #tpu.memory_space<semaphore_mem>>)
          } else {
          }
        } else {
        }
        %dma_start3A_124 = arith.constant 1 : i32
        %dma_start3A_125 = arith.constant 0 : i32
        %dma_start3A_126 = tpu.memref_slice %arg6[%dma_start3A_124, %dma_start3A_125] : memref<2x128xi32, #tpu.memory_space<vmem>> -> memref<1x128xi32, #tpu.memory_space<vmem>>
        %dma_start3A_127 = tpu.memref_squeeze %dma_start3A_126 : memref<1x128xi32, #tpu.memory_space<vmem>> -> memref<128xi32, #tpu.memory_space<vmem>>
        %dma_start3A_128 = arith.constant 0 : i32
        %dma_start3A_129 = arith.constant 0 : i32
        %dma_start3A_130 = tpu.memref_slice %arg12[%dma_start3A_128, %dma_start3A_129] : memref<10112x128xf32, #tpu.memory_space<vmem_shared>> -> memref<10112x128xf32, #tpu.memory_space<vmem_shared>>
        tpu.enqueue_indirect_dma source(%arg10 : memref<128x128xf32, #tpu.memory_space<vmem>>) target(%dma_start3A_130 : memref<10112x128xf32, #tpu.memory_space<vmem_shared>>) offsets(%dma_start3A_127 : memref<128xi32, #tpu.memory_space<vmem>>) semaphore(%arg14 : memref<!tpu.dma_semaphore, #tpu.memory_space<semaphore_mem>>) {add = true}
        %add3A_131 = arith.constant 1 : i32
        %add3A_132 = arith.addi %add3A_83, %add3A_131 : i32
        %lt3A_133 = arith.constant 79 : i32
        %lt3A_134 = arith.cmpi slt, %add3A_132, %lt3A_133 : i32
        %convert_element_type3A_135 = arith.extui %lt3A_134 : i1 to i32
        %cond3A_136 = arith.constant 0 : i32
        %cond3A_137 = arith.cmpi ne, %convert_element_type3A_135, %cond3A_136 : i32
        scf.if %cond3A_137 {
          %add3A_138 = arith.constant 1 : i32
          %add3A_139 = arith.addi %add3A_83, %add3A_138 : i32
          %add3A_140 = arith.addi %add3A, %add3A_139 : i32
          %dma_wait3A_141 = arith.constant 0 : i32
          %dma_wait3A_142 = arith.constant 0 : i32
          %dma_wait3A_143 = tpu.memref_slice %arg3[%add3A_140, %dma_wait3A_141, %dma_wait3A_142] : memref<2528x2x128xi32, #tpu.memory_space<hbm>> -> memref<1x2x128xi32, #tpu.memory_space<hbm>>
          %dma_wait3A_144 = tpu.memref_squeeze %dma_wait3A_143 : memref<1x2x128xi32, #tpu.memory_space<hbm>> -> memref<2x128xi32, #tpu.memory_space<hbm>>
          %dma_wait3A_145 = arith.constant 0 : i32
          %dma_wait3A_146 = arith.constant 0 : i32
          %dma_wait3A_147 = tpu.memref_slice %arg3[%add3A_140, %dma_wait3A_145, %dma_wait3A_146] : memref<2528x2x128xi32, #tpu.memory_space<hbm>> -> memref<1x2x128xi32, #tpu.memory_space<hbm>>
          %dma_wait3A_148 = tpu.memref_squeeze %dma_wait3A_147 : memref<1x2x128xi32, #tpu.memory_space<hbm>> -> memref<2x128xi32, #tpu.memory_space<hbm>>
          tpu.wait_dma2 semaphore(%arg16 : memref<!tpu.dma_semaphore, #tpu.memory_space<semaphore_mem>>) src(%dma_wait3A_148 : memref<2x128xi32, #tpu.memory_space<hbm>>) dst(%arg7 : memref<2x128xi32, #tpu.memory_space<vmem>>)
          %dma_start3A_149 = arith.constant 0 : i32
          %dma_start3A_150 = arith.constant 0 : i32
          %dma_start3A_151 = tpu.memref_slice %arg7[%dma_start3A_149, %dma_start3A_150] : memref<2x128xi32, #tpu.memory_space<vmem>> -> memref<1x128xi32, #tpu.memory_space<vmem>>
          %dma_start3A_152 = tpu.memref_squeeze %dma_start3A_151 : memref<1x128xi32, #tpu.memory_space<vmem>> -> memref<128xi32, #tpu.memory_space<vmem>>
          %dma_start3A_153 = arith.constant 0 : i32
          %dma_start3A_154 = arith.constant 0 : i32
          %dma_start3A_155 = tpu.memref_slice %arg2[%dma_start3A_153, %dma_start3A_154] : memref<20000x128xf32, #tpu.memory_space<hbm>> -> memref<20000x128xf32, #tpu.memory_space<hbm>>
          tpu.enqueue_indirect_dma source(%dma_start3A_155 : memref<20000x128xf32, #tpu.memory_space<hbm>>) target(%arg11 : memref<128x128xf32, #tpu.memory_space<vmem>>) offsets(%dma_start3A_152 : memref<128xi32, #tpu.memory_space<vmem>>) semaphore(%arg13 : memref<!tpu.dma_semaphore, #tpu.memory_space<semaphore_mem>>)
        } else {
        }
      } else {
      }
      %mul3A_86 = arith.constant 4 : i32
      %mul3A_87 = arith.muli %mul3A_86, %scan3A_79 : i32
      %add3A_88 = arith.constant 1 : i32
      %add3A_89 = arith.addi %mul3A_87, %add3A_88 : i32
      %lt3A_90 = arith.constant 79 : i32
      %lt3A_91 = arith.cmpi slt, %add3A_89, %lt3A_90 : i32
      %convert_element_type3A_92 = arith.extui %lt3A_91 : i1 to i32
      %cond3A_93 = arith.constant 0 : i32
      %cond3A_94 = arith.cmpi ne, %convert_element_type3A_92, %cond3A_93 : i32
      scf.if %cond3A_94 {
        %dma_wait3A_113 = arith.constant 0 : i32
        %dma_wait3A_114 = arith.constant 0 : i32
        %dma_wait3A_115 = tpu.memref_slice %arg7[%dma_wait3A_113, %dma_wait3A_114] : memref<2x128xi32, #tpu.memory_space<vmem>> -> memref<1x128xi32, #tpu.memory_space<vmem>>
        %dma_wait3A_116 = tpu.memref_squeeze %dma_wait3A_115 : memref<1x128xi32, #tpu.memory_space<vmem>> -> memref<128xi32, #tpu.memory_space<vmem>>
        %dma_wait3A_117 = arith.constant 0 : i32
        %dma_wait3A_118 = arith.constant 0 : i32
        %dma_wait3A_119 = tpu.memref_slice %arg2[%dma_wait3A_117, %dma_wait3A_118] : memref<20000x128xf32, #tpu.memory_space<hbm>> -> memref<20000x128xf32, #tpu.memory_space<hbm>>
        tpu.wait_indirect_dma semaphore(%arg13 : memref<!tpu.dma_semaphore, #tpu.memory_space<semaphore_mem>>) src(%dma_wait3A_119 : memref<20000x128xf32, #tpu.memory_space<hbm>>) dst(%arg11 : memref<128x128xf32, #tpu.memory_space<vmem>>)
        %gt3A = arith.constant 0 : i32
        %gt3A_120 = arith.cmpi sgt, %add3A_89, %gt3A : i32
        %convert_element_type3A_121 = arith.extui %gt3A_120 : i1 to i32
        %cond3A_122 = arith.constant 0 : i32
        %cond3A_123 = arith.cmpi ne, %convert_element_type3A_121, %cond3A_122 : i32
        scf.if %cond3A_123 {
          %dma_wait3A_138 = arith.constant 1 : i32
          %dma_wait3A_139 = arith.constant 0 : i32
          %dma_wait3A_140 = tpu.memref_slice %arg6[%dma_wait3A_138, %dma_wait3A_139] : memref<2x128xi32, #tpu.memory_space<vmem>> -> memref<1x128xi32, #tpu.memory_space<vmem>>
          %dma_wait3A_141 = tpu.memref_squeeze %dma_wait3A_140 : memref<1x128xi32, #tpu.memory_space<vmem>> -> memref<128xi32, #tpu.memory_space<vmem>>
          %dma_wait3A_142 = arith.constant 0 : i32
          %dma_wait3A_143 = arith.constant 0 : i32
          %dma_wait3A_144 = tpu.memref_slice %arg12[%dma_wait3A_142, %dma_wait3A_143] : memref<10112x128xf32, #tpu.memory_space<vmem_shared>> -> memref<10112x128xf32, #tpu.memory_space<vmem_shared>>
          tpu.wait_indirect_dma semaphore(%arg14 : memref<!tpu.dma_semaphore, #tpu.memory_space<semaphore_mem>>) src(%arg10 : memref<128x128xf32, #tpu.memory_space<vmem>>) dst(%dma_wait3A_144 : memref<10112x128xf32, #tpu.memory_space<vmem_shared>>)
          %add3A_145 = arith.constant 3 : i32
          %add3A_146 = arith.addi %add3A_89, %add3A_145 : i32
          %lt3A_147 = arith.constant 79 : i32
          %lt3A_148 = arith.cmpi slt, %add3A_146, %lt3A_147 : i32
          %convert_element_type3A_149 = arith.extui %lt3A_148 : i1 to i32
          %cond3A_150 = arith.constant 0 : i32
          %cond3A_151 = arith.cmpi ne, %convert_element_type3A_149, %cond3A_150 : i32
          scf.if %cond3A_151 {
            %add3A_152 = arith.constant 3 : i32
            %add3A_153 = arith.addi %add3A_89, %add3A_152 : i32
            %add3A_154 = arith.addi %add3A, %add3A_153 : i32
            %dma_start3A_155 = arith.constant 0 : i32
            %dma_start3A_156 = arith.constant 0 : i32
            %dma_start3A_157 = tpu.memref_slice %arg3[%add3A_154, %dma_start3A_155, %dma_start3A_156] : memref<2528x2x128xi32, #tpu.memory_space<hbm>> -> memref<1x2x128xi32, #tpu.memory_space<hbm>>
            %dma_start3A_158 = tpu.memref_squeeze %dma_start3A_157 : memref<1x2x128xi32, #tpu.memory_space<hbm>> -> memref<2x128xi32, #tpu.memory_space<hbm>>
            %dma_start3A_159 = arith.constant 0 : i32
            %dma_start3A_160 = arith.constant 0 : i32
            %dma_start3A_161 = tpu.memref_slice %arg3[%add3A_154, %dma_start3A_159, %dma_start3A_160] : memref<2528x2x128xi32, #tpu.memory_space<hbm>> -> memref<1x2x128xi32, #tpu.memory_space<hbm>>
            %dma_start3A_162 = tpu.memref_squeeze %dma_start3A_161 : memref<1x2x128xi32, #tpu.memory_space<hbm>> -> memref<2x128xi32, #tpu.memory_space<hbm>>
            tpu.enqueue_dma source(%dma_start3A_162 : memref<2x128xi32, #tpu.memory_space<hbm>>) target(%arg6 : memref<2x128xi32, #tpu.memory_space<vmem>>) target_semaphore(%arg15 : memref<!tpu.dma_semaphore, #tpu.memory_space<semaphore_mem>>)
          } else {
          }
        } else {
        }
        %dma_start3A_124 = arith.constant 1 : i32
        %dma_start3A_125 = arith.constant 0 : i32
        %dma_start3A_126 = tpu.memref_slice %arg7[%dma_start3A_124, %dma_start3A_125] : memref<2x128xi32, #tpu.memory_space<vmem>> -> memref<1x128xi32, #tpu.memory_space<vmem>>
        %dma_start3A_127 = tpu.memref_squeeze %dma_start3A_126 : memref<1x128xi32, #tpu.memory_space<vmem>> -> memref<128xi32, #tpu.memory_space<vmem>>
        %dma_start3A_128 = arith.constant 0 : i32
        %dma_start3A_129 = arith.constant 0 : i32
        %dma_start3A_130 = tpu.memref_slice %arg12[%dma_start3A_128, %dma_start3A_129] : memref<10112x128xf32, #tpu.memory_space<vmem_shared>> -> memref<10112x128xf32, #tpu.memory_space<vmem_shared>>
        tpu.enqueue_indirect_dma source(%arg11 : memref<128x128xf32, #tpu.memory_space<vmem>>) target(%dma_start3A_130 : memref<10112x128xf32, #tpu.memory_space<vmem_shared>>) offsets(%dma_start3A_127 : memref<128xi32, #tpu.memory_space<vmem>>) semaphore(%arg14 : memref<!tpu.dma_semaphore, #tpu.memory_space<semaphore_mem>>) {add = true}
        %add3A_131 = arith.constant 1 : i32
        %add3A_132 = arith.addi %add3A_89, %add3A_131 : i32
        %lt3A_133 = arith.constant 79 : i32
        %lt3A_134 = arith.cmpi slt, %add3A_132, %lt3A_133 : i32
        %convert_element_type3A_135 = arith.extui %lt3A_134 : i1 to i32
        %cond3A_136 = arith.constant 0 : i32
        %cond3A_137 = arith.cmpi ne, %convert_element_type3A_135, %cond3A_136 : i32
        scf.if %cond3A_137 {
          %add3A_138 = arith.constant 1 : i32
          %add3A_139 = arith.addi %add3A_89, %add3A_138 : i32
          %add3A_140 = arith.addi %add3A, %add3A_139 : i32
          %dma_wait3A_141 = arith.constant 0 : i32
          %dma_wait3A_142 = arith.constant 0 : i32
          %dma_wait3A_143 = tpu.memref_slice %arg3[%add3A_140, %dma_wait3A_141, %dma_wait3A_142] : memref<2528x2x128xi32, #tpu.memory_space<hbm>> -> memref<1x2x128xi32, #tpu.memory_space<hbm>>
          %dma_wait3A_144 = tpu.memref_squeeze %dma_wait3A_143 : memref<1x2x128xi32, #tpu.memory_space<hbm>> -> memref<2x128xi32, #tpu.memory_space<hbm>>
          %dma_wait3A_145 = arith.constant 0 : i32
          %dma_wait3A_146 = arith.constant 0 : i32
          %dma_wait3A_147 = tpu.memref_slice %arg3[%add3A_140, %dma_wait3A_145, %dma_wait3A_146] : memref<2528x2x128xi32, #tpu.memory_space<hbm>> -> memref<1x2x128xi32, #tpu.memory_space<hbm>>
          %dma_wait3A_148 = tpu.memref_squeeze %dma_wait3A_147 : memref<1x2x128xi32, #tpu.memory_space<hbm>> -> memref<2x128xi32, #tpu.memory_space<hbm>>
          tpu.wait_dma2 semaphore(%arg17 : memref<!tpu.dma_semaphore, #tpu.memory_space<semaphore_mem>>) src(%dma_wait3A_148 : memref<2x128xi32, #tpu.memory_space<hbm>>) dst(%arg8 : memref<2x128xi32, #tpu.memory_space<vmem>>)
          %dma_start3A_149 = arith.constant 0 : i32
          %dma_start3A_150 = arith.constant 0 : i32
          %dma_start3A_151 = tpu.memref_slice %arg8[%dma_start3A_149, %dma_start3A_150] : memref<2x128xi32, #tpu.memory_space<vmem>> -> memref<1x128xi32, #tpu.memory_space<vmem>>
          %dma_start3A_152 = tpu.memref_squeeze %dma_start3A_151 : memref<1x128xi32, #tpu.memory_space<vmem>> -> memref<128xi32, #tpu.memory_space<vmem>>
          %dma_start3A_153 = arith.constant 0 : i32
          %dma_start3A_154 = arith.constant 0 : i32
          %dma_start3A_155 = tpu.memref_slice %arg2[%dma_start3A_153, %dma_start3A_154] : memref<20000x128xf32, #tpu.memory_space<hbm>> -> memref<20000x128xf32, #tpu.memory_space<hbm>>
          tpu.enqueue_indirect_dma source(%dma_start3A_155 : memref<20000x128xf32, #tpu.memory_space<hbm>>) target(%arg10 : memref<128x128xf32, #tpu.memory_space<vmem>>) offsets(%dma_start3A_152 : memref<128xi32, #tpu.memory_space<vmem>>) semaphore(%arg13 : memref<!tpu.dma_semaphore, #tpu.memory_space<semaphore_mem>>)
        } else {
        }
      } else {
      }
      %mul3A_95 = arith.constant 4 : i32
      %mul3A_96 = arith.muli %mul3A_95, %scan3A_79 : i32
      %add3A_97 = arith.constant 2 : i32
      %add3A_98 = arith.addi %mul3A_96, %add3A_97 : i32
      %lt3A_99 = arith.constant 79 : i32
      %lt3A_100 = arith.cmpi slt, %add3A_98, %lt3A_99 : i32
      %convert_element_type3A_101 = arith.extui %lt3A_100 : i1 to i32
      %cond3A_102 = arith.constant 0 : i32
      %cond3A_103 = arith.cmpi ne, %convert_element_type3A_101, %cond3A_102 : i32
      scf.if %cond3A_103 {
        %dma_wait3A_113 = arith.constant 0 : i32
        %dma_wait3A_114 = arith.constant 0 : i32
        %dma_wait3A_115 = tpu.memref_slice %arg8[%dma_wait3A_113, %dma_wait3A_114] : memref<2x128xi32, #tpu.memory_space<vmem>> -> memref<1x128xi32, #tpu.memory_space<vmem>>
        %dma_wait3A_116 = tpu.memref_squeeze %dma_wait3A_115 : memref<1x128xi32, #tpu.memory_space<vmem>> -> memref<128xi32, #tpu.memory_space<vmem>>
        %dma_wait3A_117 = arith.constant 0 : i32
        %dma_wait3A_118 = arith.constant 0 : i32
        %dma_wait3A_119 = tpu.memref_slice %arg2[%dma_wait3A_117, %dma_wait3A_118] : memref<20000x128xf32, #tpu.memory_space<hbm>> -> memref<20000x128xf32, #tpu.memory_space<hbm>>
        tpu.wait_indirect_dma semaphore(%arg13 : memref<!tpu.dma_semaphore, #tpu.memory_space<semaphore_mem>>) src(%dma_wait3A_119 : memref<20000x128xf32, #tpu.memory_space<hbm>>) dst(%arg10 : memref<128x128xf32, #tpu.memory_space<vmem>>)
        %gt3A = arith.constant 0 : i32
        %gt3A_120 = arith.cmpi sgt, %add3A_98, %gt3A : i32
        %convert_element_type3A_121 = arith.extui %gt3A_120 : i1 to i32
        %cond3A_122 = arith.constant 0 : i32
        %cond3A_123 = arith.cmpi ne, %convert_element_type3A_121, %cond3A_122 : i32
        scf.if %cond3A_123 {
          %dma_wait3A_138 = arith.constant 1 : i32
          %dma_wait3A_139 = arith.constant 0 : i32
          %dma_wait3A_140 = tpu.memref_slice %arg7[%dma_wait3A_138, %dma_wait3A_139] : memref<2x128xi32, #tpu.memory_space<vmem>> -> memref<1x128xi32, #tpu.memory_space<vmem>>
          %dma_wait3A_141 = tpu.memref_squeeze %dma_wait3A_140 : memref<1x128xi32, #tpu.memory_space<vmem>> -> memref<128xi32, #tpu.memory_space<vmem>>
          %dma_wait3A_142 = arith.constant 0 : i32
          %dma_wait3A_143 = arith.constant 0 : i32
          %dma_wait3A_144 = tpu.memref_slice %arg12[%dma_wait3A_142, %dma_wait3A_143] : memref<10112x128xf32, #tpu.memory_space<vmem_shared>> -> memref<10112x128xf32, #tpu.memory_space<vmem_shared>>
          tpu.wait_indirect_dma semaphore(%arg14 : memref<!tpu.dma_semaphore, #tpu.memory_space<semaphore_mem>>) src(%arg11 : memref<128x128xf32, #tpu.memory_space<vmem>>) dst(%dma_wait3A_144 : memref<10112x128xf32, #tpu.memory_space<vmem_shared>>)
          %add3A_145 = arith.constant 3 : i32
          %add3A_146 = arith.addi %add3A_98, %add3A_145 : i32
          %lt3A_147 = arith.constant 79 : i32
          %lt3A_148 = arith.cmpi slt, %add3A_146, %lt3A_147 : i32
          %convert_element_type3A_149 = arith.extui %lt3A_148 : i1 to i32
          %cond3A_150 = arith.constant 0 : i32
          %cond3A_151 = arith.cmpi ne, %convert_element_type3A_149, %cond3A_150 : i32
          scf.if %cond3A_151 {
            %add3A_152 = arith.constant 3 : i32
            %add3A_153 = arith.addi %add3A_98, %add3A_152 : i32
            %add3A_154 = arith.addi %add3A, %add3A_153 : i32
            %dma_start3A_155 = arith.constant 0 : i32
            %dma_start3A_156 = arith.constant 0 : i32
            %dma_start3A_157 = tpu.memref_slice %arg3[%add3A_154, %dma_start3A_155, %dma_start3A_156] : memref<2528x2x128xi32, #tpu.memory_space<hbm>> -> memref<1x2x128xi32, #tpu.memory_space<hbm>>
            %dma_start3A_158 = tpu.memref_squeeze %dma_start3A_157 : memref<1x2x128xi32, #tpu.memory_space<hbm>> -> memref<2x128xi32, #tpu.memory_space<hbm>>
            %dma_start3A_159 = arith.constant 0 : i32
            %dma_start3A_160 = arith.constant 0 : i32
            %dma_start3A_161 = tpu.memref_slice %arg3[%add3A_154, %dma_start3A_159, %dma_start3A_160] : memref<2528x2x128xi32, #tpu.memory_space<hbm>> -> memref<1x2x128xi32, #tpu.memory_space<hbm>>
            %dma_start3A_162 = tpu.memref_squeeze %dma_start3A_161 : memref<1x2x128xi32, #tpu.memory_space<hbm>> -> memref<2x128xi32, #tpu.memory_space<hbm>>
            tpu.enqueue_dma source(%dma_start3A_162 : memref<2x128xi32, #tpu.memory_space<hbm>>) target(%arg7 : memref<2x128xi32, #tpu.memory_space<vmem>>) target_semaphore(%arg16 : memref<!tpu.dma_semaphore, #tpu.memory_space<semaphore_mem>>)
          } else {
          }
        } else {
        }
        %dma_start3A_124 = arith.constant 1 : i32
        %dma_start3A_125 = arith.constant 0 : i32
        %dma_start3A_126 = tpu.memref_slice %arg8[%dma_start3A_124, %dma_start3A_125] : memref<2x128xi32, #tpu.memory_space<vmem>> -> memref<1x128xi32, #tpu.memory_space<vmem>>
        %dma_start3A_127 = tpu.memref_squeeze %dma_start3A_126 : memref<1x128xi32, #tpu.memory_space<vmem>> -> memref<128xi32, #tpu.memory_space<vmem>>
        %dma_start3A_128 = arith.constant 0 : i32
        %dma_start3A_129 = arith.constant 0 : i32
        %dma_start3A_130 = tpu.memref_slice %arg12[%dma_start3A_128, %dma_start3A_129] : memref<10112x128xf32, #tpu.memory_space<vmem_shared>> -> memref<10112x128xf32, #tpu.memory_space<vmem_shared>>
        tpu.enqueue_indirect_dma source(%arg10 : memref<128x128xf32, #tpu.memory_space<vmem>>) target(%dma_start3A_130 : memref<10112x128xf32, #tpu.memory_space<vmem_shared>>) offsets(%dma_start3A_127 : memref<128xi32, #tpu.memory_space<vmem>>) semaphore(%arg14 : memref<!tpu.dma_semaphore, #tpu.memory_space<semaphore_mem>>) {add = true}
        %add3A_131 = arith.constant 1 : i32
        %add3A_132 = arith.addi %add3A_98, %add3A_131 : i32
        %lt3A_133 = arith.constant 79 : i32
        %lt3A_134 = arith.cmpi slt, %add3A_132, %lt3A_133 : i32
        %convert_element_type3A_135 = arith.extui %lt3A_134 : i1 to i32
        %cond3A_136 = arith.constant 0 : i32
        %cond3A_137 = arith.cmpi ne, %convert_element_type3A_135, %cond3A_136 : i32
        scf.if %cond3A_137 {
          %add3A_138 = arith.constant 1 : i32
          %add3A_139 = arith.addi %add3A_98, %add3A_138 : i32
          %add3A_140 = arith.addi %add3A, %add3A_139 : i32
          %dma_wait3A_141 = arith.constant 0 : i32
          %dma_wait3A_142 = arith.constant 0 : i32
          %dma_wait3A_143 = tpu.memref_slice %arg3[%add3A_140, %dma_wait3A_141, %dma_wait3A_142] : memref<2528x2x128xi32, #tpu.memory_space<hbm>> -> memref<1x2x128xi32, #tpu.memory_space<hbm>>
          %dma_wait3A_144 = tpu.memref_squeeze %dma_wait3A_143 : memref<1x2x128xi32, #tpu.memory_space<hbm>> -> memref<2x128xi32, #tpu.memory_space<hbm>>
          %dma_wait3A_145 = arith.constant 0 : i32
          %dma_wait3A_146 = arith.constant 0 : i32
          %dma_wait3A_147 = tpu.memref_slice %arg3[%add3A_140, %dma_wait3A_145, %dma_wait3A_146] : memref<2528x2x128xi32, #tpu.memory_space<hbm>> -> memref<1x2x128xi32, #tpu.memory_space<hbm>>
          %dma_wait3A_148 = tpu.memref_squeeze %dma_wait3A_147 : memref<1x2x128xi32, #tpu.memory_space<hbm>> -> memref<2x128xi32, #tpu.memory_space<hbm>>
          tpu.wait_dma2 semaphore(%arg18 : memref<!tpu.dma_semaphore, #tpu.memory_space<semaphore_mem>>) src(%dma_wait3A_148 : memref<2x128xi32, #tpu.memory_space<hbm>>) dst(%arg9 : memref<2x128xi32, #tpu.memory_space<vmem>>)
          %dma_start3A_149 = arith.constant 0 : i32
          %dma_start3A_150 = arith.constant 0 : i32
          %dma_start3A_151 = tpu.memref_slice %arg9[%dma_start3A_149, %dma_start3A_150] : memref<2x128xi32, #tpu.memory_space<vmem>> -> memref<1x128xi32, #tpu.memory_space<vmem>>
          %dma_start3A_152 = tpu.memref_squeeze %dma_start3A_151 : memref<1x128xi32, #tpu.memory_space<vmem>> -> memref<128xi32, #tpu.memory_space<vmem>>
          %dma_start3A_153 = arith.constant 0 : i32
          %dma_start3A_154 = arith.constant 0 : i32
          %dma_start3A_155 = tpu.memref_slice %arg2[%dma_start3A_153, %dma_start3A_154] : memref<20000x128xf32, #tpu.memory_space<hbm>> -> memref<20000x128xf32, #tpu.memory_space<hbm>>
          tpu.enqueue_indirect_dma source(%dma_start3A_155 : memref<20000x128xf32, #tpu.memory_space<hbm>>) target(%arg11 : memref<128x128xf32, #tpu.memory_space<vmem>>) offsets(%dma_start3A_152 : memref<128xi32, #tpu.memory_space<vmem>>) semaphore(%arg13 : memref<!tpu.dma_semaphore, #tpu.memory_space<semaphore_mem>>)
        } else {
        }
      } else {
      }
      %mul3A_104 = arith.constant 4 : i32
      %mul3A_105 = arith.muli %mul3A_104, %scan3A_79 : i32
      %add3A_106 = arith.constant 3 : i32
      %add3A_107 = arith.addi %mul3A_105, %add3A_106 : i32
      %lt3A_108 = arith.constant 79 : i32
      %lt3A_109 = arith.cmpi slt, %add3A_107, %lt3A_108 : i32
      %convert_element_type3A_110 = arith.extui %lt3A_109 : i1 to i32
      %cond3A_111 = arith.constant 0 : i32
      %cond3A_112 = arith.cmpi ne, %convert_element_type3A_110, %cond3A_111 : i32
      scf.if %cond3A_112 {
        %dma_wait3A_113 = arith.constant 0 : i32
        %dma_wait3A_114 = arith.constant 0 : i32
        %dma_wait3A_115 = tpu.memref_slice %arg9[%dma_wait3A_113, %dma_wait3A_114] : memref<2x128xi32, #tpu.memory_space<vmem>> -> memref<1x128xi32, #tpu.memory_space<vmem>>
        %dma_wait3A_116 = tpu.memref_squeeze %dma_wait3A_115 : memref<1x128xi32, #tpu.memory_space<vmem>> -> memref<128xi32, #tpu.memory_space<vmem>>
        %dma_wait3A_117 = arith.constant 0 : i32
        %dma_wait3A_118 = arith.constant 0 : i32
        %dma_wait3A_119 = tpu.memref_slice %arg2[%dma_wait3A_117, %dma_wait3A_118] : memref<20000x128xf32, #tpu.memory_space<hbm>> -> memref<20000x128xf32, #tpu.memory_space<hbm>>
        tpu.wait_indirect_dma semaphore(%arg13 : memref<!tpu.dma_semaphore, #tpu.memory_space<semaphore_mem>>) src(%dma_wait3A_119 : memref<20000x128xf32, #tpu.memory_space<hbm>>) dst(%arg11 : memref<128x128xf32, #tpu.memory_space<vmem>>)
        %gt3A = arith.constant 0 : i32
        %gt3A_120 = arith.cmpi sgt, %add3A_107, %gt3A : i32
        %convert_element_type3A_121 = arith.extui %gt3A_120 : i1 to i32
        %cond3A_122 = arith.constant 0 : i32
        %cond3A_123 = arith.cmpi ne, %convert_element_type3A_121, %cond3A_122 : i32
        scf.if %cond3A_123 {
          %dma_wait3A_138 = arith.constant 1 : i32
          %dma_wait3A_139 = arith.constant 0 : i32
          %dma_wait3A_140 = tpu.memref_slice %arg8[%dma_wait3A_138, %dma_wait3A_139] : memref<2x128xi32, #tpu.memory_space<vmem>> -> memref<1x128xi32, #tpu.memory_space<vmem>>
          %dma_wait3A_141 = tpu.memref_squeeze %dma_wait3A_140 : memref<1x128xi32, #tpu.memory_space<vmem>> -> memref<128xi32, #tpu.memory_space<vmem>>
          %dma_wait3A_142 = arith.constant 0 : i32
          %dma_wait3A_143 = arith.constant 0 : i32
          %dma_wait3A_144 = tpu.memref_slice %arg12[%dma_wait3A_142, %dma_wait3A_143] : memref<10112x128xf32, #tpu.memory_space<vmem_shared>> -> memref<10112x128xf32, #tpu.memory_space<vmem_shared>>
          tpu.wait_indirect_dma semaphore(%arg14 : memref<!tpu.dma_semaphore, #tpu.memory_space<semaphore_mem>>) src(%arg10 : memref<128x128xf32, #tpu.memory_space<vmem>>) dst(%dma_wait3A_144 : memref<10112x128xf32, #tpu.memory_space<vmem_shared>>)
          %add3A_145 = arith.constant 3 : i32
          %add3A_146 = arith.addi %add3A_107, %add3A_145 : i32
          %lt3A_147 = arith.constant 79 : i32
          %lt3A_148 = arith.cmpi slt, %add3A_146, %lt3A_147 : i32
          %convert_element_type3A_149 = arith.extui %lt3A_148 : i1 to i32
          %cond3A_150 = arith.constant 0 : i32
          %cond3A_151 = arith.cmpi ne, %convert_element_type3A_149, %cond3A_150 : i32
          scf.if %cond3A_151 {
            %add3A_152 = arith.constant 3 : i32
            %add3A_153 = arith.addi %add3A_107, %add3A_152 : i32
            %add3A_154 = arith.addi %add3A, %add3A_153 : i32
            %dma_start3A_155 = arith.constant 0 : i32
            %dma_start3A_156 = arith.constant 0 : i32
            %dma_start3A_157 = tpu.memref_slice %arg3[%add3A_154, %dma_start3A_155, %dma_start3A_156] : memref<2528x2x128xi32, #tpu.memory_space<hbm>> -> memref<1x2x128xi32, #tpu.memory_space<hbm>>
            %dma_start3A_158 = tpu.memref_squeeze %dma_start3A_157 : memref<1x2x128xi32, #tpu.memory_space<hbm>> -> memref<2x128xi32, #tpu.memory_space<hbm>>
            %dma_start3A_159 = arith.constant 0 : i32
            %dma_start3A_160 = arith.constant 0 : i32
            %dma_start3A_161 = tpu.memref_slice %arg3[%add3A_154, %dma_start3A_159, %dma_start3A_160] : memref<2528x2x128xi32, #tpu.memory_space<hbm>> -> memref<1x2x128xi32, #tpu.memory_space<hbm>>
            %dma_start3A_162 = tpu.memref_squeeze %dma_start3A_161 : memref<1x2x128xi32, #tpu.memory_space<hbm>> -> memref<2x128xi32, #tpu.memory_space<hbm>>
            tpu.enqueue_dma source(%dma_start3A_162 : memref<2x128xi32, #tpu.memory_space<hbm>>) target(%arg8 : memref<2x128xi32, #tpu.memory_space<vmem>>) target_semaphore(%arg17 : memref<!tpu.dma_semaphore, #tpu.memory_space<semaphore_mem>>)
          } else {
          }
        } else {
        }
        %dma_start3A_124 = arith.constant 1 : i32
        %dma_start3A_125 = arith.constant 0 : i32
        %dma_start3A_126 = tpu.memref_slice %arg9[%dma_start3A_124, %dma_start3A_125] : memref<2x128xi32, #tpu.memory_space<vmem>> -> memref<1x128xi32, #tpu.memory_space<vmem>>
        %dma_start3A_127 = tpu.memref_squeeze %dma_start3A_126 : memref<1x128xi32, #tpu.memory_space<vmem>> -> memref<128xi32, #tpu.memory_space<vmem>>
        %dma_start3A_128 = arith.constant 0 : i32
        %dma_start3A_129 = arith.constant 0 : i32
        %dma_start3A_130 = tpu.memref_slice %arg12[%dma_start3A_128, %dma_start3A_129] : memref<10112x128xf32, #tpu.memory_space<vmem_shared>> -> memref<10112x128xf32, #tpu.memory_space<vmem_shared>>
        tpu.enqueue_indirect_dma source(%arg11 : memref<128x128xf32, #tpu.memory_space<vmem>>) target(%dma_start3A_130 : memref<10112x128xf32, #tpu.memory_space<vmem_shared>>) offsets(%dma_start3A_127 : memref<128xi32, #tpu.memory_space<vmem>>) semaphore(%arg14 : memref<!tpu.dma_semaphore, #tpu.memory_space<semaphore_mem>>) {add = true}
        %add3A_131 = arith.constant 1 : i32
        %add3A_132 = arith.addi %add3A_107, %add3A_131 : i32
        %lt3A_133 = arith.constant 79 : i32
        %lt3A_134 = arith.cmpi slt, %add3A_132, %lt3A_133 : i32
        %convert_element_type3A_135 = arith.extui %lt3A_134 : i1 to i32
        %cond3A_136 = arith.constant 0 : i32
        %cond3A_137 = arith.cmpi ne, %convert_element_type3A_135, %cond3A_136 : i32
        scf.if %cond3A_137 {
          %add3A_138 = arith.constant 1 : i32
          %add3A_139 = arith.addi %add3A_107, %add3A_138 : i32
          %add3A_140 = arith.addi %add3A, %add3A_139 : i32
          %dma_wait3A_141 = arith.constant 0 : i32
          %dma_wait3A_142 = arith.constant 0 : i32
          %dma_wait3A_143 = tpu.memref_slice %arg3[%add3A_140, %dma_wait3A_141, %dma_wait3A_142] : memref<2528x2x128xi32, #tpu.memory_space<hbm>> -> memref<1x2x128xi32, #tpu.memory_space<hbm>>
          %dma_wait3A_144 = tpu.memref_squeeze %dma_wait3A_143 : memref<1x2x128xi32, #tpu.memory_space<hbm>> -> memref<2x128xi32, #tpu.memory_space<hbm>>
          %dma_wait3A_145 = arith.constant 0 : i32
          %dma_wait3A_146 = arith.constant 0 : i32
          %dma_wait3A_147 = tpu.memref_slice %arg3[%add3A_140, %dma_wait3A_145, %dma_wait3A_146] : memref<2528x2x128xi32, #tpu.memory_space<hbm>> -> memref<1x2x128xi32, #tpu.memory_space<hbm>>
          %dma_wait3A_148 = tpu.memref_squeeze %dma_wait3A_147 : memref<1x2x128xi32, #tpu.memory_space<hbm>> -> memref<2x128xi32, #tpu.memory_space<hbm>>
          tpu.wait_dma2 semaphore(%arg15 : memref<!tpu.dma_semaphore, #tpu.memory_space<semaphore_mem>>) src(%dma_wait3A_148 : memref<2x128xi32, #tpu.memory_space<hbm>>) dst(%arg6 : memref<2x128xi32, #tpu.memory_space<vmem>>)
          %dma_start3A_149 = arith.constant 0 : i32
          %dma_start3A_150 = arith.constant 0 : i32
          %dma_start3A_151 = tpu.memref_slice %arg6[%dma_start3A_149, %dma_start3A_150] : memref<2x128xi32, #tpu.memory_space<vmem>> -> memref<1x128xi32, #tpu.memory_space<vmem>>
          %dma_start3A_152 = tpu.memref_squeeze %dma_start3A_151 : memref<1x128xi32, #tpu.memory_space<vmem>> -> memref<128xi32, #tpu.memory_space<vmem>>
          %dma_start3A_153 = arith.constant 0 : i32
          %dma_start3A_154 = arith.constant 0 : i32
          %dma_start3A_155 = tpu.memref_slice %arg2[%dma_start3A_153, %dma_start3A_154] : memref<20000x128xf32, #tpu.memory_space<hbm>> -> memref<20000x128xf32, #tpu.memory_space<hbm>>
          tpu.enqueue_indirect_dma source(%dma_start3A_155 : memref<20000x128xf32, #tpu.memory_space<hbm>>) target(%arg10 : memref<128x128xf32, #tpu.memory_space<vmem>>) offsets(%dma_start3A_152 : memref<128xi32, #tpu.memory_space<vmem>>) semaphore(%arg13 : memref<!tpu.dma_semaphore, #tpu.memory_space<semaphore_mem>>)
        } else {
        }
      } else {
      }
    }
    %scan3A_66 = arith.constant 20 : i32
    %dma_wait3A_67 = arith.constant 1 : i32
    %dma_wait3A_68 = arith.constant 0 : i32
    %dma_wait3A_69 = tpu.memref_slice %arg8[%dma_wait3A_67, %dma_wait3A_68] : memref<2x128xi32, #tpu.memory_space<vmem>> -> memref<1x128xi32, #tpu.memory_space<vmem>>
    %dma_wait3A_70 = tpu.memref_squeeze %dma_wait3A_69 : memref<1x128xi32, #tpu.memory_space<vmem>> -> memref<128xi32, #tpu.memory_space<vmem>>
    %dma_wait3A_71 = arith.constant 0 : i32
    %dma_wait3A_72 = arith.constant 0 : i32
    %dma_wait3A_73 = tpu.memref_slice %arg12[%dma_wait3A_71, %dma_wait3A_72] : memref<10112x128xf32, #tpu.memory_space<vmem_shared>> -> memref<10112x128xf32, #tpu.memory_space<vmem_shared>>
    tpu.wait_indirect_dma semaphore(%arg14 : memref<!tpu.dma_semaphore, #tpu.memory_space<semaphore_mem>>) src(%arg10 : memref<128x128xf32, #tpu.memory_space<vmem>>) dst(%dma_wait3A_73 : memref<10112x128xf32, #tpu.memory_space<vmem_shared>>)
    %barrier3A_74 = arith.constant 0 : index
    tpu.barrier barrier_id(%barrier3A_74)
    %mul3A_75 = arith.constant 632 : i32
    %mul3A_76 = arith.muli %arg1, %mul3A_75 : i32
    %mul3A_77 = arith.constant 632 : i32
    %mul3A_78 = arith.muli %arg1, %mul3A_77 : i32
    "tpu.region"() ({
      %run_scoped3A = tpu.sem_alloc : memref<!tpu.dma_semaphore, #tpu.memory_space<semaphore_mem>>
      %dma_start3A_79 = arith.constant 0 : i32
      %dma_start3A_80 = tpu.memref_slice %arg5[%arg0, %mul3A_78, %dma_start3A_79] : memref<2x10112x128xf32, #tpu.memory_space<hbm>> -> memref<1x632x128xf32, #tpu.memory_space<hbm>>
      %dma_start3A_81 = tpu.memref_squeeze %dma_start3A_80 : memref<1x632x128xf32, #tpu.memory_space<hbm>> -> memref<632x128xf32, #tpu.memory_space<hbm>>
      %dma_start3A_82 = arith.constant 0 : i32
      %dma_start3A_83 = tpu.memref_slice %arg12[%mul3A_76, %dma_start3A_82] : memref<10112x128xf32, #tpu.memory_space<vmem_shared>> -> memref<632x128xf32, #tpu.memory_space<vmem_shared>>
      tpu.enqueue_dma source(%dma_start3A_83 : memref<632x128xf32, #tpu.memory_space<vmem_shared>>) target(%dma_start3A_81 : memref<632x128xf32, #tpu.memory_space<hbm>>) target_semaphore(%run_scoped3A : memref<!tpu.dma_semaphore, #tpu.memory_space<semaphore_mem>>)
      %dma_wait3A_84 = arith.constant 0 : i32
      %dma_wait3A_85 = tpu.memref_slice %arg5[%arg0, %mul3A_78, %dma_wait3A_84] : memref<2x10112x128xf32, #tpu.memory_space<hbm>> -> memref<1x632x128xf32, #tpu.memory_space<hbm>>
      %dma_wait3A_86 = tpu.memref_squeeze %dma_wait3A_85 : memref<1x632x128xf32, #tpu.memory_space<hbm>> -> memref<632x128xf32, #tpu.memory_space<hbm>>
      %dma_wait3A_87 = arith.constant 0 : i32
      %dma_wait3A_88 = tpu.memref_slice %arg12[%mul3A_76, %dma_wait3A_87] : memref<10112x128xf32, #tpu.memory_space<vmem_shared>> -> memref<632x128xf32, #tpu.memory_space<vmem_shared>>
      tpu.wait_dma2 semaphore(%run_scoped3A : memref<!tpu.dma_semaphore, #tpu.memory_space<semaphore_mem>>) src(%dma_wait3A_88 : memref<632x128xf32, #tpu.memory_space<vmem_shared>>) dst(%dma_wait3A_86 : memref<632x128xf32, #tpu.memory_space<hbm>>)
      tpu.yield
    }) : () -> ()
    return
  }
}

module attributes {stable_mosaic.version = 14 : i64} {
  func.func @_gram_affine_body(%arg0: i32, %arg1: memref<5000x256xf32, #tpu.memory_space<vmem>>, %arg2: memref<4x256x512xf32, #tpu.memory_space<vmem>>, %arg3: memref<4x1x512xf32, #tpu.memory_space<vmem>>, %arg4: memref<4x1x512xf32, #tpu.memory_space<vmem>>, %arg5: memref<4x1x512xf32, #tpu.memory_space<vmem>>, %arg6: memref<4x1x512xf32, #tpu.memory_space<vmem>>, %arg7: memref<256x256xf32, #tpu.memory_space<vmem>>, %arg8: memref<1x256xf32, #tpu.memory_space<vmem>>) attributes {dimension_semantics = [#tpu.dimension_semantics<arbitrary>], iteration_bounds = array<i64: 2>, scalar_prefetch = 0 : i64, scratch_operands = 2 : i64, tpu.core_type = #tpu.core_type<tc>, window_params = [{transform_indices = @transform_0, window_bounds = array<i64: 5000, 256>}, {pipeline_mode = #tpu.pipeline_mode<synchronous>, transform_indices = @transform_1, window_bounds = array<i64: 4, 256, 512>}, {pipeline_mode = #tpu.pipeline_mode<synchronous>, transform_indices = @transform_2, window_bounds = array<i64: 4, 1, 512>}, {pipeline_mode = #tpu.pipeline_mode<synchronous>, transform_indices = @transform_3, window_bounds = array<i64: 4, 1, 512>}, {pipeline_mode = #tpu.pipeline_mode<synchronous>, transform_indices = @transform_4, window_bounds = array<i64: 4, 1, 512>}, {pipeline_mode = #tpu.pipeline_mode<synchronous>, transform_indices = @transform_5, window_bounds = array<i64: 4, 1, 512>}]} {
    %eq3A = arith.constant 0 : i32
    %eq3A_0 = arith.cmpi eq, %arg0, %eq3A : i32
    %convert_element_type3A = arith.extui %eq3A_0 : i1 to i32
    %cond3A = arith.constant 0 : i32
    %cond3A_1 = arith.cmpi ne, %convert_element_type3A, %cond3A : i32
    scf.if %cond3A_1 {
      %broadcast_in_dim3A_23 = arith.constant 0.000000e+00 : f32
      %broadcast_in_dim3A_24 = vector.broadcast %broadcast_in_dim3A_23 : f32 to vector<256x256xf32>
      %swap3A_25 = arith.constant 0 : index
      %swap3A_26 = arith.constant 0 : index
      %swap3A_27 = vector.load %arg7[%swap3A_25, %swap3A_26] : memref<256x256xf32, #tpu.memory_space<vmem>>, vector<256x256xf32>
      tpu.vector_store %arg7[%swap3A_25, %swap3A_26], %broadcast_in_dim3A_24 {strides = array<i32>} : memref<256x256xf32, #tpu.memory_space<vmem>>, vector<256x256xf32>,
      %broadcast_in_dim3A_28 = arith.constant 0.000000e+00 : f32
      %broadcast_in_dim3A_29 = vector.broadcast %broadcast_in_dim3A_28 : f32 to vector<1x256xf32>
      %swap3A_30 = arith.constant 0 : index
      %swap3A_31 = arith.constant 0 : index
      %swap3A_32 = vector.load %arg8[%swap3A_30, %swap3A_31] : memref<1x256xf32, #tpu.memory_space<vmem>>, vector<1x256xf32>
      tpu.vector_store %arg8[%swap3A_30, %swap3A_31], %broadcast_in_dim3A_29 {strides = array<i32>} : memref<1x256xf32, #tpu.memory_space<vmem>>, vector<1x256xf32>,
    } else {
    }
    %get3A = arith.constant 0 : index
    %get3A_2 = arith.constant 0 : index
    %get3A_3 = vector.load %arg1[%get3A, %get3A_2] : memref<5000x256xf32, #tpu.memory_space<vmem>>, vector<5000x256xf32>
    %get3A_4 = arith.constant 0 : index
    %get3A_5 = arith.constant 0 : index
    %get3A_6 = vector.load %arg7[%get3A_4, %get3A_5] : memref<256x256xf32, #tpu.memory_space<vmem>>, vector<256x256xf32>
    %dot_general3A = arith.constant dense<0.000000e+00> : vector<256x256xf32>
    %dot_general3A_7 = tpu.matmul %get3A_3, %get3A_3, %dot_general3A {dimension_numbers = #tpu.dot_dimension_numbers<[0], [0], [1], [1], [0, 1, 1, 1], [], []>, transpose_lhs_hint = false} : vector<5000x256xf32>, vector<5000x256xf32>, vector<256x256xf32> -> vector<256x256xf32>
    %add3A = arith.addf %get3A_6, %dot_general3A_7 : vector<256x256xf32>
    %swap3A = arith.constant 0 : index
    %swap3A_8 = arith.constant 0 : index
    %swap3A_9 = vector.load %arg7[%swap3A, %swap3A_8] : memref<256x256xf32, #tpu.memory_space<vmem>>, vector<256x256xf32>
    tpu.vector_store %arg7[%swap3A, %swap3A_8], %add3A {strides = array<i32>} : memref<256x256xf32, #tpu.memory_space<vmem>>, vector<256x256xf32>,
    %get3A_10 = arith.constant 0 : index
    %get3A_11 = arith.constant 0 : index
    %get3A_12 = vector.load %arg8[%get3A_10, %get3A_11] : memref<1x256xf32, #tpu.memory_space<vmem>>, vector<1x256xf32>
    %reduce_sum3A = arith.constant dense<0.000000e+00> : vector<256xf32>
    %reduce_sum3A_13 = vector.multi_reduction <add>, %get3A_3, %reduce_sum3A [0] : vector<5000x256xf32> to vector<256xf32>
    %broadcast_in_dim3A = vector.shape_cast %reduce_sum3A_13 : vector<256xf32> to vector<1x256xf32>
    %add3A_14 = arith.addf %get3A_12, %broadcast_in_dim3A : vector<1x256xf32>
    %swap3A_15 = arith.constant 0 : index
    %swap3A_16 = arith.constant 0 : index
    %swap3A_17 = vector.load %arg8[%swap3A_15, %swap3A_16] : memref<1x256xf32, #tpu.memory_space<vmem>>, vector<1x256xf32>
    tpu.vector_store %arg8[%swap3A_15, %swap3A_16], %add3A_14 {strides = array<i32>} : memref<1x256xf32, #tpu.memory_space<vmem>>, vector<1x256xf32>,
    %eq3A_18 = arith.constant 1 : i32
    %eq3A_19 = arith.cmpi eq, %arg0, %eq3A_18 : i32
    %convert_element_type3A_20 = arith.extui %eq3A_19 : i1 to i32
    %cond3A_21 = arith.constant 0 : i32
    %cond3A_22 = arith.cmpi ne, %convert_element_type3A_20, %cond3A_21 : i32
    scf.if %cond3A_22 {
      %get3A_23 = arith.constant 0 : index
      %get3A_24 = arith.constant 0 : index
      %get3A_25 = vector.load %arg7[%get3A_23, %get3A_24] : memref<256x256xf32, #tpu.memory_space<vmem>>, vector<256x256xf32>
      %get3A_26 = arith.constant 0 : index
      %get3A_27 = arith.constant 0 : index
      %get3A_28 = vector.load %arg8[%get3A_26, %get3A_27] : memref<1x256xf32, #tpu.memory_space<vmem>>, vector<1x256xf32>
      %get3A_29 = arith.constant 0 : index
      %get3A_30 = arith.constant 0 : index
      %get3A_31 = arith.constant 0 : index
      %get3A_32 = vector.load %arg2[%get3A_29, %get3A_30, %get3A_31] : memref<4x256x512xf32, #tpu.memory_space<vmem>>, vector<1x256x512xf32>
      %get3A_33 = vector.shape_cast %get3A_32 : vector<1x256x512xf32> to vector<256x512xf32>
      %dot_general3A_34 = arith.constant dense<0.000000e+00> : vector<256x512xf32>
      %dot_general3A_35 = tpu.matmul %get3A_25, %get3A_33, %dot_general3A_34 {dimension_numbers = #tpu.dot_dimension_numbers<[1], [0], [0], [1], [0, 0, 1, 1], [], []>, transpose_lhs_hint = false} : vector<256x256xf32>, vector<256x512xf32>, vector<256x512xf32> -> vector<256x512xf32>
      %mul3A = arith.mulf %get3A_33, %dot_general3A_35 : vector<256x512xf32>
      %reduce_sum3A_36 = arith.constant dense<0.000000e+00> : vector<512xf32>
      %reduce_sum3A_37 = vector.multi_reduction <add>, %mul3A, %reduce_sum3A_36 [0] : vector<256x512xf32> to vector<512xf32>
      %broadcast_in_dim3A_38 = vector.shape_cast %reduce_sum3A_37 : vector<512xf32> to vector<1x512xf32>
      %div3A = arith.constant 1.000000e+04 : f32
      %div3A_39 = vector.broadcast %div3A : f32 to vector<1x512xf32>
      %div3A_40 = arith.divf %broadcast_in_dim3A_38, %div3A_39 : vector<1x512xf32>
      %dot_general3A_41 = arith.constant dense<0.000000e+00> : vector<1x512xf32>
      %dot_general3A_42 = tpu.matmul %get3A_28, %get3A_33, %dot_general3A_41 {dimension_numbers = #tpu.dot_dimension_numbers<[1], [0], [0], [1], [0, 0, 1, 1], [], []>, transpose_lhs_hint = false} : vector<1x256xf32>, vector<256x512xf32>, vector<1x512xf32> -> vector<1x512xf32>
      %div3A_43 = arith.constant 1.000000e+04 : f32
      %div3A_44 = vector.broadcast %div3A_43 : f32 to vector<1x512xf32>
      %div3A_45 = arith.divf %dot_general3A_42, %div3A_44 : vector<1x512xf32>
      %mul3A_46 = arith.mulf %div3A_45, %div3A_45 : vector<1x512xf32>
      %sub3A = arith.subf %div3A_40, %mul3A_46 : vector<1x512xf32>
      %add3A_47 = arith.constant 9.99999974E-6 : f32
      %add3A_48 = vector.broadcast %add3A_47 : f32 to vector<1x512xf32>
      %add3A_49 = arith.addf %sub3A, %add3A_48 : vector<1x512xf32>
      %rsqrt3A = math.rsqrt %add3A_49 : vector<1x512xf32>
      %get3A_50 = arith.constant 0 : index
      %get3A_51 = arith.constant 0 : index
      %get3A_52 = arith.constant 0 : index
      %get3A_53 = vector.load %arg3[%get3A_50, %get3A_51, %get3A_52] : memref<4x1x512xf32, #tpu.memory_space<vmem>>, vector<1x1x512xf32>
      %get3A_54 = vector.shape_cast %get3A_53 : vector<1x1x512xf32> to vector<1x512xf32>
      %mul3A_55 = arith.mulf %get3A_54, %rsqrt3A : vector<1x512xf32>
      %swap3A_56 = arith.constant 0 : index
      %swap3A_57 = arith.constant 0 : index
      %swap3A_58 = arith.constant 0 : index
      %swap3A_59 = vector.load %arg5[%swap3A_56, %swap3A_57, %swap3A_58] : memref<4x1x512xf32, #tpu.memory_space<vmem>>, vector<1x1x512xf32>
      %swap3A_60 = vector.shape_cast %swap3A_59 : vector<1x1x512xf32> to vector<1x512xf32>
      %swap3A_61 = vector.shape_cast %mul3A_55 : vector<1x512xf32> to vector<1x1x512xf32>
      tpu.vector_store %arg5[%swap3A_56, %swap3A_57, %swap3A_58], %swap3A_61 {strides = array<i32>} : memref<4x1x512xf32, #tpu.memory_space<vmem>>, vector<1x1x512xf32>,
      %get3A_62 = arith.constant 0 : index
      %get3A_63 = arith.constant 0 : index
      %get3A_64 = arith.constant 0 : index
      %get3A_65 = vector.load %arg4[%get3A_62, %get3A_63, %get3A_64] : memref<4x1x512xf32, #tpu.memory_space<vmem>>, vector<1x1x512xf32>
      %get3A_66 = vector.shape_cast %get3A_65 : vector<1x1x512xf32> to vector<1x512xf32>
      %mul3A_67 = arith.mulf %div3A_45, %mul3A_55 : vector<1x512xf32>
      %sub3A_68 = arith.subf %get3A_66, %mul3A_67 : vector<1x512xf32>
      %swap3A_69 = arith.constant 0 : index
      %swap3A_70 = arith.constant 0 : index
      %swap3A_71 = arith.constant 0 : index
      %swap3A_72 = vector.load %arg6[%swap3A_69, %swap3A_70, %swap3A_71] : memref<4x1x512xf32, #tpu.memory_space<vmem>>, vector<1x1x512xf32>
      %swap3A_73 = vector.shape_cast %swap3A_72 : vector<1x1x512xf32> to vector<1x512xf32>
      %swap3A_74 = vector.shape_cast %sub3A_68 : vector<1x512xf32> to vector<1x1x512xf32>
      tpu.vector_store %arg6[%swap3A_69, %swap3A_70, %swap3A_71], %swap3A_74 {strides = array<i32>} : memref<4x1x512xf32, #tpu.memory_space<vmem>>, vector<1x1x512xf32>,
      %get3A_75 = arith.constant 1 : index
      %get3A_76 = arith.constant 0 : index
      %get3A_77 = arith.constant 0 : index
      %get3A_78 = vector.load %arg2[%get3A_75, %get3A_76, %get3A_77] : memref<4x256x512xf32, #tpu.memory_space<vmem>>, vector<1x256x512xf32>
      %get3A_79 = vector.shape_cast %get3A_78 : vector<1x256x512xf32> to vector<256x512xf32>
      %dot_general3A_80 = arith.constant dense<0.000000e+00> : vector<256x512xf32>
      %dot_general3A_81 = tpu.matmul %get3A_25, %get3A_79, %dot_general3A_80 {dimension_numbers = #tpu.dot_dimension_numbers<[1], [0], [0], [1], [0, 0, 1, 1], [], []>, transpose_lhs_hint = false} : vector<256x256xf32>, vector<256x512xf32>, vector<256x512xf32> -> vector<256x512xf32>
      %mul3A_82 = arith.mulf %get3A_79, %dot_general3A_81 : vector<256x512xf32>
      %reduce_sum3A_83 = arith.constant dense<0.000000e+00> : vector<512xf32>
      %reduce_sum3A_84 = vector.multi_reduction <add>, %mul3A_82, %reduce_sum3A_83 [0] : vector<256x512xf32> to vector<512xf32>
      %broadcast_in_dim3A_85 = vector.shape_cast %reduce_sum3A_84 : vector<512xf32> to vector<1x512xf32>
      %div3A_86 = arith.constant 1.000000e+04 : f32
      %div3A_87 = vector.broadcast %div3A_86 : f32 to vector<1x512xf32>
      %div3A_88 = arith.divf %broadcast_in_dim3A_85, %div3A_87 : vector<1x512xf32>
      %dot_general3A_89 = arith.constant dense<0.000000e+00> : vector<1x512xf32>
      %dot_general3A_90 = tpu.matmul %get3A_28, %get3A_79, %dot_general3A_89 {dimension_numbers = #tpu.dot_dimension_numbers<[1], [0], [0], [1], [0, 0, 1, 1], [], []>, transpose_lhs_hint = false} : vector<1x256xf32>, vector<256x512xf32>, vector<1x512xf32> -> vector<1x512xf32>
      %div3A_91 = arith.constant 1.000000e+04 : f32
      %div3A_92 = vector.broadcast %div3A_91 : f32 to vector<1x512xf32>
      %div3A_93 = arith.divf %dot_general3A_90, %div3A_92 : vector<1x512xf32>
      %mul3A_94 = arith.mulf %div3A_93, %div3A_93 : vector<1x512xf32>
      %sub3A_95 = arith.subf %div3A_88, %mul3A_94 : vector<1x512xf32>
      %add3A_96 = arith.constant 9.99999974E-6 : f32
      %add3A_97 = vector.broadcast %add3A_96 : f32 to vector<1x512xf32>
      %add3A_98 = arith.addf %sub3A_95, %add3A_97 : vector<1x512xf32>
      %rsqrt3A_99 = math.rsqrt %add3A_98 : vector<1x512xf32>
      %get3A_100 = arith.constant 1 : index
      %get3A_101 = arith.constant 0 : index
      %get3A_102 = arith.constant 0 : index
      %get3A_103 = vector.load %arg3[%get3A_100, %get3A_101, %get3A_102] : memref<4x1x512xf32, #tpu.memory_space<vmem>>, vector<1x1x512xf32>
      %get3A_104 = vector.shape_cast %get3A_103 : vector<1x1x512xf32> to vector<1x512xf32>
      %mul3A_105 = arith.mulf %get3A_104, %rsqrt3A_99 : vector<1x512xf32>
      %swap3A_106 = arith.constant 1 : index
      %swap3A_107 = arith.constant 0 : index
      %swap3A_108 = arith.constant 0 : index
      %swap3A_109 = vector.load %arg5[%swap3A_106, %swap3A_107, %swap3A_108] : memref<4x1x512xf32, #tpu.memory_space<vmem>>, vector<1x1x512xf32>
      %swap3A_110 = vector.shape_cast %swap3A_109 : vector<1x1x512xf32> to vector<1x512xf32>
      %swap3A_111 = vector.shape_cast %mul3A_105 : vector<1x512xf32> to vector<1x1x512xf32>
      tpu.vector_store %arg5[%swap3A_106, %swap3A_107, %swap3A_108], %swap3A_111 {strides = array<i32>} : memref<4x1x512xf32, #tpu.memory_space<vmem>>, vector<1x1x512xf32>,
      %get3A_112 = arith.constant 1 : index
      %get3A_113 = arith.constant 0 : index
      %get3A_114 = arith.constant 0 : index
      %get3A_115 = vector.load %arg4[%get3A_112, %get3A_113, %get3A_114] : memref<4x1x512xf32, #tpu.memory_space<vmem>>, vector<1x1x512xf32>
      %get3A_116 = vector.shape_cast %get3A_115 : vector<1x1x512xf32> to vector<1x512xf32>
      %mul3A_117 = arith.mulf %div3A_93, %mul3A_105 : vector<1x512xf32>
      %sub3A_118 = arith.subf %get3A_116, %mul3A_117 : vector<1x512xf32>
      %swap3A_119 = arith.constant 1 : index
      %swap3A_120 = arith.constant 0 : index
      %swap3A_121 = arith.constant 0 : index
      %swap3A_122 = vector.load %arg6[%swap3A_119, %swap3A_120, %swap3A_121] : memref<4x1x512xf32, #tpu.memory_space<vmem>>, vector<1x1x512xf32>
      %swap3A_123 = vector.shape_cast %swap3A_122 : vector<1x1x512xf32> to vector<1x512xf32>
      %swap3A_124 = vector.shape_cast %sub3A_118 : vector<1x512xf32> to vector<1x1x512xf32>
      tpu.vector_store %arg6[%swap3A_119, %swap3A_120, %swap3A_121], %swap3A_124 {strides = array<i32>} : memref<4x1x512xf32, #tpu.memory_space<vmem>>, vector<1x1x512xf32>,
      %get3A_125 = arith.constant 2 : index
      %get3A_126 = arith.constant 0 : index
      %get3A_127 = arith.constant 0 : index
      %get3A_128 = vector.load %arg2[%get3A_125, %get3A_126, %get3A_127] : memref<4x256x512xf32, #tpu.memory_space<vmem>>, vector<1x256x512xf32>
      %get3A_129 = vector.shape_cast %get3A_128 : vector<1x256x512xf32> to vector<256x512xf32>
      %dot_general3A_130 = arith.constant dense<0.000000e+00> : vector<256x512xf32>
      %dot_general3A_131 = tpu.matmul %get3A_25, %get3A_129, %dot_general3A_130 {dimension_numbers = #tpu.dot_dimension_numbers<[1], [0], [0], [1], [0, 0, 1, 1], [], []>, transpose_lhs_hint = false} : vector<256x256xf32>, vector<256x512xf32>, vector<256x512xf32> -> vector<256x512xf32>
      %mul3A_132 = arith.mulf %get3A_129, %dot_general3A_131 : vector<256x512xf32>
      %reduce_sum3A_133 = arith.constant dense<0.000000e+00> : vector<512xf32>
      %reduce_sum3A_134 = vector.multi_reduction <add>, %mul3A_132, %reduce_sum3A_133 [0] : vector<256x512xf32> to vector<512xf32>
      %broadcast_in_dim3A_135 = vector.shape_cast %reduce_sum3A_134 : vector<512xf32> to vector<1x512xf32>
      %div3A_136 = arith.constant 1.000000e+04 : f32
      %div3A_137 = vector.broadcast %div3A_136 : f32 to vector<1x512xf32>
      %div3A_138 = arith.divf %broadcast_in_dim3A_135, %div3A_137 : vector<1x512xf32>
      %dot_general3A_139 = arith.constant dense<0.000000e+00> : vector<1x512xf32>
      %dot_general3A_140 = tpu.matmul %get3A_28, %get3A_129, %dot_general3A_139 {dimension_numbers = #tpu.dot_dimension_numbers<[1], [0], [0], [1], [0, 0, 1, 1], [], []>, transpose_lhs_hint = false} : vector<1x256xf32>, vector<256x512xf32>, vector<1x512xf32> -> vector<1x512xf32>
      %div3A_141 = arith.constant 1.000000e+04 : f32
      %div3A_142 = vector.broadcast %div3A_141 : f32 to vector<1x512xf32>
      %div3A_143 = arith.divf %dot_general3A_140, %div3A_142 : vector<1x512xf32>
      %mul3A_144 = arith.mulf %div3A_143, %div3A_143 : vector<1x512xf32>
      %sub3A_145 = arith.subf %div3A_138, %mul3A_144 : vector<1x512xf32>
      %add3A_146 = arith.constant 9.99999974E-6 : f32
      %add3A_147 = vector.broadcast %add3A_146 : f32 to vector<1x512xf32>
      %add3A_148 = arith.addf %sub3A_145, %add3A_147 : vector<1x512xf32>
      %rsqrt3A_149 = math.rsqrt %add3A_148 : vector<1x512xf32>
      %get3A_150 = arith.constant 2 : index
      %get3A_151 = arith.constant 0 : index
      %get3A_152 = arith.constant 0 : index
      %get3A_153 = vector.load %arg3[%get3A_150, %get3A_151, %get3A_152] : memref<4x1x512xf32, #tpu.memory_space<vmem>>, vector<1x1x512xf32>
      %get3A_154 = vector.shape_cast %get3A_153 : vector<1x1x512xf32> to vector<1x512xf32>
      %mul3A_155 = arith.mulf %get3A_154, %rsqrt3A_149 : vector<1x512xf32>
      %swap3A_156 = arith.constant 2 : index
      %swap3A_157 = arith.constant 0 : index
      %swap3A_158 = arith.constant 0 : index
      %swap3A_159 = vector.load %arg5[%swap3A_156, %swap3A_157, %swap3A_158] : memref<4x1x512xf32, #tpu.memory_space<vmem>>, vector<1x1x512xf32>
      %swap3A_160 = vector.shape_cast %swap3A_159 : vector<1x1x512xf32> to vector<1x512xf32>
      %swap3A_161 = vector.shape_cast %mul3A_155 : vector<1x512xf32> to vector<1x1x512xf32>
      tpu.vector_store %arg5[%swap3A_156, %swap3A_157, %swap3A_158], %swap3A_161 {strides = array<i32>} : memref<4x1x512xf32, #tpu.memory_space<vmem>>, vector<1x1x512xf32>,
      %get3A_162 = arith.constant 2 : index
      %get3A_163 = arith.constant 0 : index
      %get3A_164 = arith.constant 0 : index
      %get3A_165 = vector.load %arg4[%get3A_162, %get3A_163, %get3A_164] : memref<4x1x512xf32, #tpu.memory_space<vmem>>, vector<1x1x512xf32>
      %get3A_166 = vector.shape_cast %get3A_165 : vector<1x1x512xf32> to vector<1x512xf32>
      %mul3A_167 = arith.mulf %div3A_143, %mul3A_155 : vector<1x512xf32>
      %sub3A_168 = arith.subf %get3A_166, %mul3A_167 : vector<1x512xf32>
      %swap3A_169 = arith.constant 2 : index
      %swap3A_170 = arith.constant 0 : index
      %swap3A_171 = arith.constant 0 : index
      %swap3A_172 = vector.load %arg6[%swap3A_169, %swap3A_170, %swap3A_171] : memref<4x1x512xf32, #tpu.memory_space<vmem>>, vector<1x1x512xf32>
      %swap3A_173 = vector.shape_cast %swap3A_172 : vector<1x1x512xf32> to vector<1x512xf32>
      %swap3A_174 = vector.shape_cast %sub3A_168 : vector<1x512xf32> to vector<1x1x512xf32>
      tpu.vector_store %arg6[%swap3A_169, %swap3A_170, %swap3A_171], %swap3A_174 {strides = array<i32>} : memref<4x1x512xf32, #tpu.memory_space<vmem>>, vector<1x1x512xf32>,
      %get3A_175 = arith.constant 3 : index
      %get3A_176 = arith.constant 0 : index
      %get3A_177 = arith.constant 0 : index
      %get3A_178 = vector.load %arg2[%get3A_175, %get3A_176, %get3A_177] : memref<4x256x512xf32, #tpu.memory_space<vmem>>, vector<1x256x512xf32>
      %get3A_179 = vector.shape_cast %get3A_178 : vector<1x256x512xf32> to vector<256x512xf32>
      %dot_general3A_180 = arith.constant dense<0.000000e+00> : vector<256x512xf32>
      %dot_general3A_181 = tpu.matmul %get3A_25, %get3A_179, %dot_general3A_180 {dimension_numbers = #tpu.dot_dimension_numbers<[1], [0], [0], [1], [0, 0, 1, 1], [], []>, transpose_lhs_hint = false} : vector<256x256xf32>, vector<256x512xf32>, vector<256x512xf32> -> vector<256x512xf32>
      %mul3A_182 = arith.mulf %get3A_179, %dot_general3A_181 : vector<256x512xf32>
      %reduce_sum3A_183 = arith.constant dense<0.000000e+00> : vector<512xf32>
      %reduce_sum3A_184 = vector.multi_reduction <add>, %mul3A_182, %reduce_sum3A_183 [0] : vector<256x512xf32> to vector<512xf32>
      %broadcast_in_dim3A_185 = vector.shape_cast %reduce_sum3A_184 : vector<512xf32> to vector<1x512xf32>
      %div3A_186 = arith.constant 1.000000e+04 : f32
      %div3A_187 = vector.broadcast %div3A_186 : f32 to vector<1x512xf32>
      %div3A_188 = arith.divf %broadcast_in_dim3A_185, %div3A_187 : vector<1x512xf32>
      %dot_general3A_189 = arith.constant dense<0.000000e+00> : vector<1x512xf32>
      %dot_general3A_190 = tpu.matmul %get3A_28, %get3A_179, %dot_general3A_189 {dimension_numbers = #tpu.dot_dimension_numbers<[1], [0], [0], [1], [0, 0, 1, 1], [], []>, transpose_lhs_hint = false} : vector<1x256xf32>, vector<256x512xf32>, vector<1x512xf32> -> vector<1x512xf32>
      %div3A_191 = arith.constant 1.000000e+04 : f32
      %div3A_192 = vector.broadcast %div3A_191 : f32 to vector<1x512xf32>
      %div3A_193 = arith.divf %dot_general3A_190, %div3A_192 : vector<1x512xf32>
      %mul3A_194 = arith.mulf %div3A_193, %div3A_193 : vector<1x512xf32>
      %sub3A_195 = arith.subf %div3A_188, %mul3A_194 : vector<1x512xf32>
      %add3A_196 = arith.constant 9.99999974E-6 : f32
      %add3A_197 = vector.broadcast %add3A_196 : f32 to vector<1x512xf32>
      %add3A_198 = arith.addf %sub3A_195, %add3A_197 : vector<1x512xf32>
      %rsqrt3A_199 = math.rsqrt %add3A_198 : vector<1x512xf32>
      %get3A_200 = arith.constant 3 : index
      %get3A_201 = arith.constant 0 : index
      %get3A_202 = arith.constant 0 : index
      %get3A_203 = vector.load %arg3[%get3A_200, %get3A_201, %get3A_202] : memref<4x1x512xf32, #tpu.memory_space<vmem>>, vector<1x1x512xf32>
      %get3A_204 = vector.shape_cast %get3A_203 : vector<1x1x512xf32> to vector<1x512xf32>
      %mul3A_205 = arith.mulf %get3A_204, %rsqrt3A_199 : vector<1x512xf32>
      %swap3A_206 = arith.constant 3 : index
      %swap3A_207 = arith.constant 0 : index
      %swap3A_208 = arith.constant 0 : index
      %swap3A_209 = vector.load %arg5[%swap3A_206, %swap3A_207, %swap3A_208] : memref<4x1x512xf32, #tpu.memory_space<vmem>>, vector<1x1x512xf32>
      %swap3A_210 = vector.shape_cast %swap3A_209 : vector<1x1x512xf32> to vector<1x512xf32>
      %swap3A_211 = vector.shape_cast %mul3A_205 : vector<1x512xf32> to vector<1x1x512xf32>
      tpu.vector_store %arg5[%swap3A_206, %swap3A_207, %swap3A_208], %swap3A_211 {strides = array<i32>} : memref<4x1x512xf32, #tpu.memory_space<vmem>>, vector<1x1x512xf32>,
      %get3A_212 = arith.constant 3 : index
      %get3A_213 = arith.constant 0 : index
      %get3A_214 = arith.constant 0 : index
      %get3A_215 = vector.load %arg4[%get3A_212, %get3A_213, %get3A_214] : memref<4x1x512xf32, #tpu.memory_space<vmem>>, vector<1x1x512xf32>
      %get3A_216 = vector.shape_cast %get3A_215 : vector<1x1x512xf32> to vector<1x512xf32>
      %mul3A_217 = arith.mulf %div3A_193, %mul3A_205 : vector<1x512xf32>
      %sub3A_218 = arith.subf %get3A_216, %mul3A_217 : vector<1x512xf32>
      %swap3A_219 = arith.constant 3 : index
      %swap3A_220 = arith.constant 0 : index
      %swap3A_221 = arith.constant 0 : index
      %swap3A_222 = vector.load %arg6[%swap3A_219, %swap3A_220, %swap3A_221] : memref<4x1x512xf32, #tpu.memory_space<vmem>>, vector<1x1x512xf32>
      %swap3A_223 = vector.shape_cast %swap3A_222 : vector<1x1x512xf32> to vector<1x512xf32>
      %swap3A_224 = vector.shape_cast %sub3A_218 : vector<1x512xf32> to vector<1x1x512xf32>
      tpu.vector_store %arg6[%swap3A_219, %swap3A_220, %swap3A_221], %swap3A_224 {strides = array<i32>} : memref<4x1x512xf32, #tpu.memory_space<vmem>>, vector<1x1x512xf32>,
    } else {
    }
    return
  }
  func.func @transform_0(%arg0: i32) -> (i32, i32) {
    %c0_i32 = arith.constant 0 : i32
    %c0_i32_0 = arith.constant 0 : i32
    return %arg0, %c0_i32 : i32, i32
  }
  func.func @transform_1(%arg0: i32) -> (i32, i32, i32) {
    %c0_i32 = arith.constant 0 : i32
    %c0_i32_0 = arith.constant 0 : i32
    %c0_i32_1 = arith.constant 0 : i32
    %c0_i32_2 = arith.constant 0 : i32
    return %c0_i32, %c0_i32_0, %c0_i32_1 : i32, i32, i32
  }
  func.func @transform_2(%arg0: i32) -> (i32, i32, i32) {
    %c0_i32 = arith.constant 0 : i32
    %c0_i32_0 = arith.constant 0 : i32
    %c0_i32_1 = arith.constant 0 : i32
    %c0_i32_2 = arith.constant 0 : i32
    return %c0_i32, %c0_i32_0, %c0_i32_1 : i32, i32, i32
  }
  func.func @transform_3(%arg0: i32) -> (i32, i32, i32) {
    %c0_i32 = arith.constant 0 : i32
    %c0_i32_0 = arith.constant 0 : i32
    %c0_i32_1 = arith.constant 0 : i32
    %c0_i32_2 = arith.constant 0 : i32
    return %c0_i32, %c0_i32_0, %c0_i32_1 : i32, i32, i32
  }
  func.func @transform_4(%arg0: i32) -> (i32, i32, i32) {
    %c0_i32 = arith.constant 0 : i32
    %c0_i32_0 = arith.constant 0 : i32
    %c0_i32_1 = arith.constant 0 : i32
    %c0_i32_2 = arith.constant 0 : i32
    return %c0_i32, %c0_i32_0, %c0_i32_1 : i32, i32, i32
  }
  func.func @transform_5(%arg0: i32) -> (i32, i32, i32) {
    %c0_i32 = arith.constant 0 : i32
    %c0_i32_0 = arith.constant 0 : i32
    %c0_i32_1 = arith.constant 0 : i32
    %c0_i32_2 = arith.constant 0 : i32
    return %c0_i32, %c0_i32_0, %c0_i32_1 : i32, i32, i32
  }
}

module attributes {stable_mosaic.version = 14 : i64} {
  func.func @_mlp_body(%arg0: i32, %arg1: memref<5000x256xf32, #tpu.memory_space<vmem>>, %arg2: memref<4x256x512xf32, #tpu.memory_space<vmem>>, %arg3: memref<4x1x512xf32, #tpu.memory_space<vmem>>, %arg4: memref<4x1x512xf32, #tpu.memory_space<vmem>>, %arg5: memref<4x512x64xf32, #tpu.memory_space<vmem>>, %arg6: memref<5000x256xf32, #tpu.memory_space<vmem>>) attributes {dimension_semantics = [#tpu.dimension_semantics<arbitrary>], iteration_bounds = array<i64: 2>, scalar_prefetch = 0 : i64, scratch_operands = 0 : i64, tpu.core_type = #tpu.core_type<tc>, window_params = [{transform_indices = @transform_0, window_bounds = array<i64: 5000, 256>}, {pipeline_mode = #tpu.pipeline_mode<synchronous>, transform_indices = @transform_1, window_bounds = array<i64: 4, 256, 512>}, {pipeline_mode = #tpu.pipeline_mode<synchronous>, transform_indices = @transform_2, window_bounds = array<i64: 4, 1, 512>}, {pipeline_mode = #tpu.pipeline_mode<synchronous>, transform_indices = @transform_3, window_bounds = array<i64: 4, 1, 512>}, {pipeline_mode = #tpu.pipeline_mode<synchronous>, transform_indices = @transform_4, window_bounds = array<i64: 4, 512, 64>}, {transform_indices = @transform_5, window_bounds = array<i64: 5000, 256>}]} {
    %get3A = arith.constant 0 : index
    %get3A_0 = arith.constant 0 : index
    %get3A_1 = vector.load %arg1[%get3A, %get3A_0] : memref<5000x256xf32, #tpu.memory_space<vmem>>, vector<5000x256xf32>
    %convert_element_type3A = arith.truncf %get3A_1 : vector<5000x256xf32> to vector<5000x256xbf16>
    %get3A_2 = arith.constant 0 : index
    %get3A_3 = arith.constant 0 : index
    %get3A_4 = arith.constant 0 : index
    %get3A_5 = vector.load %arg2[%get3A_2, %get3A_3, %get3A_4] : memref<4x256x512xf32, #tpu.memory_space<vmem>>, vector<1x256x512xf32>
    %get3A_6 = vector.shape_cast %get3A_5 : vector<1x256x512xf32> to vector<256x512xf32>
    %convert_element_type3A_7 = arith.truncf %get3A_6 : vector<256x512xf32> to vector<256x512xbf16>
    %dot_general3A = arith.constant dense<0.000000e+00> : vector<5000x512xf32>
    %dot_general3A_8 = tpu.matmul %convert_element_type3A, %convert_element_type3A_7, %dot_general3A {dimension_numbers = #tpu.dot_dimension_numbers<[1], [0], [0], [1], [0, 0, 1, 1], [], []>, transpose_lhs_hint = false} : vector<5000x256xbf16>, vector<256x512xbf16>, vector<5000x512xf32> -> vector<5000x512xf32>
    %get3A_9 = arith.constant 0 : index
    %get3A_10 = arith.constant 0 : index
    %get3A_11 = arith.constant 0 : index
    %get3A_12 = vector.load %arg3[%get3A_9, %get3A_10, %get3A_11] : memref<4x1x512xf32, #tpu.memory_space<vmem>>, vector<1x1x512xf32>
    %get3A_13 = vector.shape_cast %get3A_12 : vector<1x1x512xf32> to vector<1x512xf32>
    %mul3A = vector.broadcast %get3A_13 : vector<1x512xf32> to vector<5000x512xf32>
    %mul3A_14 = arith.mulf %dot_general3A_8, %mul3A : vector<5000x512xf32>
    %get3A_15 = arith.constant 0 : index
    %get3A_16 = arith.constant 0 : index
    %get3A_17 = arith.constant 0 : index
    %get3A_18 = vector.load %arg4[%get3A_15, %get3A_16, %get3A_17] : memref<4x1x512xf32, #tpu.memory_space<vmem>>, vector<1x1x512xf32>
    %get3A_19 = vector.shape_cast %get3A_18 : vector<1x1x512xf32> to vector<1x512xf32>
    %add3A = vector.broadcast %get3A_19 : vector<1x512xf32> to vector<5000x512xf32>
    %add3A_20 = arith.addf %mul3A_14, %add3A : vector<5000x512xf32>
    %max3A = arith.constant 0.000000e+00 : f32
    %max3A_21 = vector.broadcast %max3A : f32 to vector<5000x512xf32>
    %max3A_22 = arith.maximumf %add3A_20, %max3A_21 : vector<5000x512xf32>
    %convert_element_type3A_23 = arith.truncf %max3A_22 : vector<5000x512xf32> to vector<5000x512xbf16>
    %get3A_24 = arith.constant 0 : index
    %get3A_25 = arith.constant 0 : index
    %get3A_26 = arith.constant 0 : index
    %get3A_27 = vector.load %arg5[%get3A_24, %get3A_25, %get3A_26] : memref<4x512x64xf32, #tpu.memory_space<vmem>>, vector<1x512x64xf32>
    %get3A_28 = vector.shape_cast %get3A_27 : vector<1x512x64xf32> to vector<512x64xf32>
    %convert_element_type3A_29 = arith.truncf %get3A_28 : vector<512x64xf32> to vector<512x64xbf16>
    %dot_general3A_30 = arith.constant dense<0.000000e+00> : vector<5000x64xf32>
    %dot_general3A_31 = tpu.matmul %convert_element_type3A_23, %convert_element_type3A_29, %dot_general3A_30 {dimension_numbers = #tpu.dot_dimension_numbers<[1], [0], [0], [1], [0, 0, 1, 1], [], []>, transpose_lhs_hint = false} : vector<5000x512xbf16>, vector<512x64xbf16>, vector<5000x64xf32> -> vector<5000x64xf32>
    %swap3A = arith.constant 0 : index
    %swap3A_32 = arith.constant 0 : index
    %swap3A_33 = vector.load %arg6[%swap3A, %swap3A_32] : memref<5000x256xf32, #tpu.memory_space<vmem>>, vector<5000x64xf32>
    tpu.vector_store %arg6[%swap3A, %swap3A_32], %dot_general3A_31 {strides = array<i32>} : memref<5000x256xf32, #tpu.memory_space<vmem>>, vector<5000x64xf32>,
    %get3A_34 = arith.constant 1 : index
    %get3A_35 = arith.constant 0 : index
    %get3A_36 = arith.constant 0 : index
    %get3A_37 = vector.load %arg2[%get3A_34, %get3A_35, %get3A_36] : memref<4x256x512xf32, #tpu.memory_space<vmem>>, vector<1x256x512xf32>
    %get3A_38 = vector.shape_cast %get3A_37 : vector<1x256x512xf32> to vector<256x512xf32>
    %convert_element_type3A_39 = arith.truncf %get3A_38 : vector<256x512xf32> to vector<256x512xbf16>
    %dot_general3A_40 = arith.constant dense<0.000000e+00> : vector<5000x512xf32>
    %dot_general3A_41 = tpu.matmul %convert_element_type3A, %convert_element_type3A_39, %dot_general3A_40 {dimension_numbers = #tpu.dot_dimension_numbers<[1], [0], [0], [1], [0, 0, 1, 1], [], []>, transpose_lhs_hint = false} : vector<5000x256xbf16>, vector<256x512xbf16>, vector<5000x512xf32> -> vector<5000x512xf32>
    %get3A_42 = arith.constant 1 : index
    %get3A_43 = arith.constant 0 : index
    %get3A_44 = arith.constant 0 : index
    %get3A_45 = vector.load %arg3[%get3A_42, %get3A_43, %get3A_44] : memref<4x1x512xf32, #tpu.memory_space<vmem>>, vector<1x1x512xf32>
    %get3A_46 = vector.shape_cast %get3A_45 : vector<1x1x512xf32> to vector<1x512xf32>
    %mul3A_47 = vector.broadcast %get3A_46 : vector<1x512xf32> to vector<5000x512xf32>
    %mul3A_48 = arith.mulf %dot_general3A_41, %mul3A_47 : vector<5000x512xf32>
    %get3A_49 = arith.constant 1 : index
    %get3A_50 = arith.constant 0 : index
    %get3A_51 = arith.constant 0 : index
    %get3A_52 = vector.load %arg4[%get3A_49, %get3A_50, %get3A_51] : memref<4x1x512xf32, #tpu.memory_space<vmem>>, vector<1x1x512xf32>
    %get3A_53 = vector.shape_cast %get3A_52 : vector<1x1x512xf32> to vector<1x512xf32>
    %add3A_54 = vector.broadcast %get3A_53 : vector<1x512xf32> to vector<5000x512xf32>
    %add3A_55 = arith.addf %mul3A_48, %add3A_54 : vector<5000x512xf32>
    %max3A_56 = arith.constant 0.000000e+00 : f32
    %max3A_57 = vector.broadcast %max3A_56 : f32 to vector<5000x512xf32>
    %max3A_58 = arith.maximumf %add3A_55, %max3A_57 : vector<5000x512xf32>
    %convert_element_type3A_59 = arith.truncf %max3A_58 : vector<5000x512xf32> to vector<5000x512xbf16>
    %get3A_60 = arith.constant 1 : index
    %get3A_61 = arith.constant 0 : index
    %get3A_62 = arith.constant 0 : index
    %get3A_63 = vector.load %arg5[%get3A_60, %get3A_61, %get3A_62] : memref<4x512x64xf32, #tpu.memory_space<vmem>>, vector<1x512x64xf32>
    %get3A_64 = vector.shape_cast %get3A_63 : vector<1x512x64xf32> to vector<512x64xf32>
    %convert_element_type3A_65 = arith.truncf %get3A_64 : vector<512x64xf32> to vector<512x64xbf16>
    %dot_general3A_66 = arith.constant dense<0.000000e+00> : vector<5000x64xf32>
    %dot_general3A_67 = tpu.matmul %convert_element_type3A_59, %convert_element_type3A_65, %dot_general3A_66 {dimension_numbers = #tpu.dot_dimension_numbers<[1], [0], [0], [1], [0, 0, 1, 1], [], []>, transpose_lhs_hint = false} : vector<5000x512xbf16>, vector<512x64xbf16>, vector<5000x64xf32> -> vector<5000x64xf32>
    %swap3A_68 = arith.constant 0 : index
    %swap3A_69 = arith.constant 64 : index
    %swap3A_70 = vector.load %arg6[%swap3A_68, %swap3A_69] : memref<5000x256xf32, #tpu.memory_space<vmem>>, vector<5000x64xf32>
    tpu.vector_store %arg6[%swap3A_68, %swap3A_69], %dot_general3A_67 {strides = array<i32>} : memref<5000x256xf32, #tpu.memory_space<vmem>>, vector<5000x64xf32>,
    %get3A_71 = arith.constant 2 : index
    %get3A_72 = arith.constant 0 : index
    %get3A_73 = arith.constant 0 : index
    %get3A_74 = vector.load %arg2[%get3A_71, %get3A_72, %get3A_73] : memref<4x256x512xf32, #tpu.memory_space<vmem>>, vector<1x256x512xf32>
    %get3A_75 = vector.shape_cast %get3A_74 : vector<1x256x512xf32> to vector<256x512xf32>
    %convert_element_type3A_76 = arith.truncf %get3A_75 : vector<256x512xf32> to vector<256x512xbf16>
    %dot_general3A_77 = arith.constant dense<0.000000e+00> : vector<5000x512xf32>
    %dot_general3A_78 = tpu.matmul %convert_element_type3A, %convert_element_type3A_76, %dot_general3A_77 {dimension_numbers = #tpu.dot_dimension_numbers<[1], [0], [0], [1], [0, 0, 1, 1], [], []>, transpose_lhs_hint = false} : vector<5000x256xbf16>, vector<256x512xbf16>, vector<5000x512xf32> -> vector<5000x512xf32>
    %get3A_79 = arith.constant 2 : index
    %get3A_80 = arith.constant 0 : index
    %get3A_81 = arith.constant 0 : index
    %get3A_82 = vector.load %arg3[%get3A_79, %get3A_80, %get3A_81] : memref<4x1x512xf32, #tpu.memory_space<vmem>>, vector<1x1x512xf32>
    %get3A_83 = vector.shape_cast %get3A_82 : vector<1x1x512xf32> to vector<1x512xf32>
    %mul3A_84 = vector.broadcast %get3A_83 : vector<1x512xf32> to vector<5000x512xf32>
    %mul3A_85 = arith.mulf %dot_general3A_78, %mul3A_84 : vector<5000x512xf32>
    %get3A_86 = arith.constant 2 : index
    %get3A_87 = arith.constant 0 : index
    %get3A_88 = arith.constant 0 : index
    %get3A_89 = vector.load %arg4[%get3A_86, %get3A_87, %get3A_88] : memref<4x1x512xf32, #tpu.memory_space<vmem>>, vector<1x1x512xf32>
    %get3A_90 = vector.shape_cast %get3A_89 : vector<1x1x512xf32> to vector<1x512xf32>
    %add3A_91 = vector.broadcast %get3A_90 : vector<1x512xf32> to vector<5000x512xf32>
    %add3A_92 = arith.addf %mul3A_85, %add3A_91 : vector<5000x512xf32>
    %max3A_93 = arith.constant 0.000000e+00 : f32
    %max3A_94 = vector.broadcast %max3A_93 : f32 to vector<5000x512xf32>
    %max3A_95 = arith.maximumf %add3A_92, %max3A_94 : vector<5000x512xf32>
    %convert_element_type3A_96 = arith.truncf %max3A_95 : vector<5000x512xf32> to vector<5000x512xbf16>
    %get3A_97 = arith.constant 2 : index
    %get3A_98 = arith.constant 0 : index
    %get3A_99 = arith.constant 0 : index
    %get3A_100 = vector.load %arg5[%get3A_97, %get3A_98, %get3A_99] : memref<4x512x64xf32, #tpu.memory_space<vmem>>, vector<1x512x64xf32>
    %get3A_101 = vector.shape_cast %get3A_100 : vector<1x512x64xf32> to vector<512x64xf32>
    %convert_element_type3A_102 = arith.truncf %get3A_101 : vector<512x64xf32> to vector<512x64xbf16>
    %dot_general3A_103 = arith.constant dense<0.000000e+00> : vector<5000x64xf32>
    %dot_general3A_104 = tpu.matmul %convert_element_type3A_96, %convert_element_type3A_102, %dot_general3A_103 {dimension_numbers = #tpu.dot_dimension_numbers<[1], [0], [0], [1], [0, 0, 1, 1], [], []>, transpose_lhs_hint = false} : vector<5000x512xbf16>, vector<512x64xbf16>, vector<5000x64xf32> -> vector<5000x64xf32>
    %swap3A_105 = arith.constant 0 : index
    %swap3A_106 = arith.constant 128 : index
    %swap3A_107 = vector.load %arg6[%swap3A_105, %swap3A_106] : memref<5000x256xf32, #tpu.memory_space<vmem>>, vector<5000x64xf32>
    tpu.vector_store %arg6[%swap3A_105, %swap3A_106], %dot_general3A_104 {strides = array<i32>} : memref<5000x256xf32, #tpu.memory_space<vmem>>, vector<5000x64xf32>,
    %get3A_108 = arith.constant 3 : index
    %get3A_109 = arith.constant 0 : index
    %get3A_110 = arith.constant 0 : index
    %get3A_111 = vector.load %arg2[%get3A_108, %get3A_109, %get3A_110] : memref<4x256x512xf32, #tpu.memory_space<vmem>>, vector<1x256x512xf32>
    %get3A_112 = vector.shape_cast %get3A_111 : vector<1x256x512xf32> to vector<256x512xf32>
    %convert_element_type3A_113 = arith.truncf %get3A_112 : vector<256x512xf32> to vector<256x512xbf16>
    %dot_general3A_114 = arith.constant dense<0.000000e+00> : vector<5000x512xf32>
    %dot_general3A_115 = tpu.matmul %convert_element_type3A, %convert_element_type3A_113, %dot_general3A_114 {dimension_numbers = #tpu.dot_dimension_numbers<[1], [0], [0], [1], [0, 0, 1, 1], [], []>, transpose_lhs_hint = false} : vector<5000x256xbf16>, vector<256x512xbf16>, vector<5000x512xf32> -> vector<5000x512xf32>
    %get3A_116 = arith.constant 3 : index
    %get3A_117 = arith.constant 0 : index
    %get3A_118 = arith.constant 0 : index
    %get3A_119 = vector.load %arg3[%get3A_116, %get3A_117, %get3A_118] : memref<4x1x512xf32, #tpu.memory_space<vmem>>, vector<1x1x512xf32>
    %get3A_120 = vector.shape_cast %get3A_119 : vector<1x1x512xf32> to vector<1x512xf32>
    %mul3A_121 = vector.broadcast %get3A_120 : vector<1x512xf32> to vector<5000x512xf32>
    %mul3A_122 = arith.mulf %dot_general3A_115, %mul3A_121 : vector<5000x512xf32>
    %get3A_123 = arith.constant 3 : index
    %get3A_124 = arith.constant 0 : index
    %get3A_125 = arith.constant 0 : index
    %get3A_126 = vector.load %arg4[%get3A_123, %get3A_124, %get3A_125] : memref<4x1x512xf32, #tpu.memory_space<vmem>>, vector<1x1x512xf32>
    %get3A_127 = vector.shape_cast %get3A_126 : vector<1x1x512xf32> to vector<1x512xf32>
    %add3A_128 = vector.broadcast %get3A_127 : vector<1x512xf32> to vector<5000x512xf32>
    %add3A_129 = arith.addf %mul3A_122, %add3A_128 : vector<5000x512xf32>
    %max3A_130 = arith.constant 0.000000e+00 : f32
    %max3A_131 = vector.broadcast %max3A_130 : f32 to vector<5000x512xf32>
    %max3A_132 = arith.maximumf %add3A_129, %max3A_131 : vector<5000x512xf32>
    %convert_element_type3A_133 = arith.truncf %max3A_132 : vector<5000x512xf32> to vector<5000x512xbf16>
    %get3A_134 = arith.constant 3 : index
    %get3A_135 = arith.constant 0 : index
    %get3A_136 = arith.constant 0 : index
    %get3A_137 = vector.load %arg5[%get3A_134, %get3A_135, %get3A_136] : memref<4x512x64xf32, #tpu.memory_space<vmem>>, vector<1x512x64xf32>
    %get3A_138 = vector.shape_cast %get3A_137 : vector<1x512x64xf32> to vector<512x64xf32>
    %convert_element_type3A_139 = arith.truncf %get3A_138 : vector<512x64xf32> to vector<512x64xbf16>
    %dot_general3A_140 = arith.constant dense<0.000000e+00> : vector<5000x64xf32>
    %dot_general3A_141 = tpu.matmul %convert_element_type3A_133, %convert_element_type3A_139, %dot_general3A_140 {dimension_numbers = #tpu.dot_dimension_numbers<[1], [0], [0], [1], [0, 0, 1, 1], [], []>, transpose_lhs_hint = false} : vector<5000x512xbf16>, vector<512x64xbf16>, vector<5000x64xf32> -> vector<5000x64xf32>
    %swap3A_142 = arith.constant 0 : index
    %swap3A_143 = arith.constant 192 : index
    %swap3A_144 = vector.load %arg6[%swap3A_142, %swap3A_143] : memref<5000x256xf32, #tpu.memory_space<vmem>>, vector<5000x64xf32>
    tpu.vector_store %arg6[%swap3A_142, %swap3A_143], %dot_general3A_141 {strides = array<i32>} : memref<5000x256xf32, #tpu.memory_space<vmem>>, vector<5000x64xf32>,
    return
  }
  func.func @transform_0(%arg0: i32) -> (i32, i32) {
    %c0_i32 = arith.constant 0 : i32
    %c0_i32_0 = arith.constant 0 : i32
    return %arg0, %c0_i32 : i32, i32
  }
  func.func @transform_1(%arg0: i32) -> (i32, i32, i32) {
    %c0_i32 = arith.constant 0 : i32
    %c0_i32_0 = arith.constant 0 : i32
    %c0_i32_1 = arith.constant 0 : i32
    %c0_i32_2 = arith.constant 0 : i32
    return %c0_i32, %c0_i32_0, %c0_i32_1 : i32, i32, i32
  }
  func.func @transform_2(%arg0: i32) -> (i32, i32, i32) {
    %c0_i32 = arith.constant 0 : i32
    %c0_i32_0 = arith.constant 0 : i32
    %c0_i32_1 = arith.constant 0 : i32
    %c0_i32_2 = arith.constant 0 : i32
    return %c0_i32, %c0_i32_0, %c0_i32_1 : i32, i32, i32
  }
  func.func @transform_3(%arg0: i32) -> (i32, i32, i32) {
    %c0_i32 = arith.constant 0 : i32
    %c0_i32_0 = arith.constant 0 : i32
    %c0_i32_1 = arith.constant 0 : i32
    %c0_i32_2 = arith.constant 0 : i32
    return %c0_i32, %c0_i32_0, %c0_i32_1 : i32, i32, i32
  }
  func.func @transform_4(%arg0: i32) -> (i32, i32, i32) {
    %c0_i32 = arith.constant 0 : i32
    %c0_i32_0 = arith.constant 0 : i32
    %c0_i32_1 = arith.constant 0 : i32
    %c0_i32_2 = arith.constant 0 : i32
    return %c0_i32, %c0_i32_0, %c0_i32_1 : i32, i32, i32
  }
  func.func @transform_5(%arg0: i32) -> (i32, i32) {
    %c0_i32 = arith.constant 0 : i32
    %c0_i32_0 = arith.constant 0 : i32
    return %arg0, %c0_i32 : i32, i32
  }
}

module attributes {stable_mosaic.version = 14 : i64} {
  func.func @_aggstat_body(%arg0: i32, %arg1: memref<2x5000x128xf32, #tpu.memory_space<vmem>>, %arg2: memref<2x1x128xf32, #tpu.memory_space<vmem>>, %arg3: memref<2x1x128xf32, #tpu.memory_space<vmem>>) attributes {dimension_semantics = [#tpu.dimension_semantics<arbitrary>], iteration_bounds = array<i64: 2>, scalar_prefetch = 0 : i64, scratch_operands = 0 : i64, tpu.core_type = #tpu.core_type<tc>, window_params = [{transform_indices = @transform_0, window_bounds = array<i64: 2, 5000, 128>}, {pipeline_mode = #tpu.pipeline_mode<synchronous>, transform_indices = @transform_1, window_bounds = array<i64: 2, 1, 128>}, {pipeline_mode = #tpu.pipeline_mode<synchronous>, transform_indices = @transform_2, window_bounds = array<i64: 2, 1, 128>}]} {
    %eq3A = arith.constant 0 : i32
    %eq3A_0 = arith.cmpi eq, %arg0, %eq3A : i32
    %convert_element_type3A = arith.extui %eq3A_0 : i1 to i32
    %cond3A = arith.constant 0 : i32
    %cond3A_1 = arith.cmpi ne, %convert_element_type3A, %cond3A : i32
    scf.if %cond3A_1 {
      %broadcast_in_dim3A_25 = arith.constant 0.000000e+00 : f32
      %broadcast_in_dim3A_26 = vector.broadcast %broadcast_in_dim3A_25 : f32 to vector<2x1x128xf32>
      %swap3A_27 = arith.constant 0 : index
      %swap3A_28 = arith.constant 0 : index
      %swap3A_29 = arith.constant 0 : index
      %swap3A_30 = vector.load %arg2[%swap3A_27, %swap3A_28, %swap3A_29] : memref<2x1x128xf32, #tpu.memory_space<vmem>>, vector<2x1x128xf32>
      tpu.vector_store %arg2[%swap3A_27, %swap3A_28, %swap3A_29], %broadcast_in_dim3A_26 {strides = array<i32>} : memref<2x1x128xf32, #tpu.memory_space<vmem>>, vector<2x1x128xf32>,
      %broadcast_in_dim3A_31 = arith.constant 0.000000e+00 : f32
      %broadcast_in_dim3A_32 = vector.broadcast %broadcast_in_dim3A_31 : f32 to vector<2x1x128xf32>
      %swap3A_33 = arith.constant 0 : index
      %swap3A_34 = arith.constant 0 : index
      %swap3A_35 = arith.constant 0 : index
      %swap3A_36 = vector.load %arg3[%swap3A_33, %swap3A_34, %swap3A_35] : memref<2x1x128xf32, #tpu.memory_space<vmem>>, vector<2x1x128xf32>
      tpu.vector_store %arg3[%swap3A_33, %swap3A_34, %swap3A_35], %broadcast_in_dim3A_32 {strides = array<i32>} : memref<2x1x128xf32, #tpu.memory_space<vmem>>, vector<2x1x128xf32>,
    } else {
    }
    %get3A = arith.constant 0 : index
    %get3A_2 = arith.constant 0 : index
    %get3A_3 = arith.constant 0 : index
    %get3A_4 = vector.load %arg1[%get3A, %get3A_2, %get3A_3] : memref<2x5000x128xf32, #tpu.memory_space<vmem>>, vector<2x5000x128xf32>
    %get3A_5 = arith.constant 0 : index
    %get3A_6 = arith.constant 0 : index
    %get3A_7 = arith.constant 0 : index
    %get3A_8 = vector.load %arg2[%get3A_5, %get3A_6, %get3A_7] : memref<2x1x128xf32, #tpu.memory_space<vmem>>, vector<2x1x128xf32>
    %reduce_sum3A = arith.constant dense<0.000000e+00> : vector<2x128xf32>
    %reduce_sum3A_9 = vector.multi_reduction <add>, %get3A_4, %reduce_sum3A [1] : vector<2x5000x128xf32> to vector<2x128xf32>
    %broadcast_in_dim3A = vector.shape_cast %reduce_sum3A_9 : vector<2x128xf32> to vector<2x1x128xf32>
    %add3A = arith.addf %get3A_8, %broadcast_in_dim3A : vector<2x1x128xf32>
    %swap3A = arith.constant 0 : index
    %swap3A_10 = arith.constant 0 : index
    %swap3A_11 = arith.constant 0 : index
    %swap3A_12 = vector.load %arg2[%swap3A, %swap3A_10, %swap3A_11] : memref<2x1x128xf32, #tpu.memory_space<vmem>>, vector<2x1x128xf32>
    tpu.vector_store %arg2[%swap3A, %swap3A_10, %swap3A_11], %add3A {strides = array<i32>} : memref<2x1x128xf32, #tpu.memory_space<vmem>>, vector<2x1x128xf32>,
    %get3A_13 = arith.constant 0 : index
    %get3A_14 = arith.constant 0 : index
    %get3A_15 = arith.constant 0 : index
    %get3A_16 = vector.load %arg3[%get3A_13, %get3A_14, %get3A_15] : memref<2x1x128xf32, #tpu.memory_space<vmem>>, vector<2x1x128xf32>
    %mul3A = arith.mulf %get3A_4, %get3A_4 : vector<2x5000x128xf32>
    %reduce_sum3A_17 = arith.constant dense<0.000000e+00> : vector<2x128xf32>
    %reduce_sum3A_18 = vector.multi_reduction <add>, %mul3A, %reduce_sum3A_17 [1] : vector<2x5000x128xf32> to vector<2x128xf32>
    %broadcast_in_dim3A_19 = vector.shape_cast %reduce_sum3A_18 : vector<2x128xf32> to vector<2x1x128xf32>
    %add3A_20 = arith.addf %get3A_16, %broadcast_in_dim3A_19 : vector<2x1x128xf32>
    %swap3A_21 = arith.constant 0 : index
    %swap3A_22 = arith.constant 0 : index
    %swap3A_23 = arith.constant 0 : index
    %swap3A_24 = vector.load %arg3[%swap3A_21, %swap3A_22, %swap3A_23] : memref<2x1x128xf32, #tpu.memory_space<vmem>>, vector<2x1x128xf32>
    tpu.vector_store %arg3[%swap3A_21, %swap3A_22, %swap3A_23], %add3A_20 {strides = array<i32>} : memref<2x1x128xf32, #tpu.memory_space<vmem>>, vector<2x1x128xf32>,
    return
  }
  func.func @transform_0(%arg0: i32) -> (i32, i32, i32) {
    %c0_i32 = arith.constant 0 : i32
    %c0_i32_0 = arith.constant 0 : i32
    %c0_i32_1 = arith.constant 0 : i32
    return %c0_i32, %arg0, %c0_i32_0 : i32, i32, i32
  }
  func.func @transform_1(%arg0: i32) -> (i32, i32, i32) {
    %c0_i32 = arith.constant 0 : i32
    %c0_i32_0 = arith.constant 0 : i32
    %c0_i32_1 = arith.constant 0 : i32
    %c0_i32_2 = arith.constant 0 : i32
    return %c0_i32, %c0_i32_0, %c0_i32_1 : i32, i32, i32
  }
  func.func @transform_2(%arg0: i32) -> (i32, i32, i32) {
    %c0_i32 = arith.constant 0 : i32
    %c0_i32_0 = arith.constant 0 : i32
    %c0_i32_1 = arith.constant 0 : i32
    %c0_i32_2 = arith.constant 0 : i32
    return %c0_i32, %c0_i32_0, %c0_i32_1 : i32, i32, i32
  }
}

module attributes {stable_mosaic.version = 14 : i64} {
  func.func @_final_body(%arg0: i32, %arg1: memref<2x5000x128xf32, #tpu.memory_space<vmem>>, %arg2: memref<2x1x128xf32, #tpu.memory_space<vmem>>, %arg3: memref<2x1x128xf32, #tpu.memory_space<vmem>>, %arg4: memref<2x1x128xf32, #tpu.memory_space<vmem>>, %arg5: memref<2x1x128xf32, #tpu.memory_space<vmem>>, %arg6: memref<5000x256xf32, #tpu.memory_space<vmem>>, %arg7: memref<5000x256xf32, #tpu.memory_space<vmem>>) attributes {dimension_semantics = [#tpu.dimension_semantics<arbitrary>], iteration_bounds = array<i64: 2>, scalar_prefetch = 0 : i64, scratch_operands = 0 : i64, tpu.core_type = #tpu.core_type<tc>, window_params = [{transform_indices = @transform_0, window_bounds = array<i64: 2, 5000, 128>}, {pipeline_mode = #tpu.pipeline_mode<synchronous>, transform_indices = @transform_1, window_bounds = array<i64: 2, 1, 128>}, {pipeline_mode = #tpu.pipeline_mode<synchronous>, transform_indices = @transform_2, window_bounds = array<i64: 2, 1, 128>}, {pipeline_mode = #tpu.pipeline_mode<synchronous>, transform_indices = @transform_3, window_bounds = array<i64: 2, 1, 128>}, {pipeline_mode = #tpu.pipeline_mode<synchronous>, transform_indices = @transform_4, window_bounds = array<i64: 2, 1, 128>}, {transform_indices = @transform_5, window_bounds = array<i64: 5000, 256>}, {transform_indices = @transform_6, window_bounds = array<i64: 5000, 256>}]} {
    %get3A = arith.constant 0 : index
    %get3A_0 = arith.constant 0 : index
    %get3A_1 = arith.constant 0 : index
    %get3A_2 = vector.load %arg2[%get3A, %get3A_0, %get3A_1] : memref<2x1x128xf32, #tpu.memory_space<vmem>>, vector<2x1x128xf32>
    %div3A = arith.constant 1.000000e+04 : f32
    %div3A_3 = vector.broadcast %div3A : f32 to vector<2x1x128xf32>
    %div3A_4 = arith.divf %get3A_2, %div3A_3 : vector<2x1x128xf32>
    %get3A_5 = arith.constant 0 : index
    %get3A_6 = arith.constant 0 : index
    %get3A_7 = arith.constant 0 : index
    %get3A_8 = vector.load %arg3[%get3A_5, %get3A_6, %get3A_7] : memref<2x1x128xf32, #tpu.memory_space<vmem>>, vector<2x1x128xf32>
    %div3A_9 = arith.constant 1.000000e+04 : f32
    %div3A_10 = vector.broadcast %div3A_9 : f32 to vector<2x1x128xf32>
    %div3A_11 = arith.divf %get3A_8, %div3A_10 : vector<2x1x128xf32>
    %mul3A = arith.mulf %div3A_4, %div3A_4 : vector<2x1x128xf32>
    %sub3A = arith.subf %div3A_11, %mul3A : vector<2x1x128xf32>
    %add3A = arith.constant 9.99999974E-6 : f32
    %add3A_12 = vector.broadcast %add3A : f32 to vector<2x1x128xf32>
    %add3A_13 = arith.addf %sub3A, %add3A_12 : vector<2x1x128xf32>
    %rsqrt3A = math.rsqrt %add3A_13 : vector<2x1x128xf32>
    %get3A_14 = arith.constant 0 : index
    %get3A_15 = arith.constant 0 : index
    %get3A_16 = arith.constant 0 : index
    %get3A_17 = vector.load %arg1[%get3A_14, %get3A_15, %get3A_16] : memref<2x5000x128xf32, #tpu.memory_space<vmem>>, vector<2x5000x128xf32>
    %sub3A_18 = vector.broadcast %div3A_4 : vector<2x1x128xf32> to vector<2x5000x128xf32>
    %sub3A_19 = arith.subf %get3A_17, %sub3A_18 : vector<2x5000x128xf32>
    %get3A_20 = arith.constant 0 : index
    %get3A_21 = arith.constant 0 : index
    %get3A_22 = arith.constant 0 : index
    %get3A_23 = vector.load %arg4[%get3A_20, %get3A_21, %get3A_22] : memref<2x1x128xf32, #tpu.memory_space<vmem>>, vector<2x1x128xf32>
    %mul3A_24 = arith.mulf %rsqrt3A, %get3A_23 : vector<2x1x128xf32>
    %mul3A_25 = vector.broadcast %mul3A_24 : vector<2x1x128xf32> to vector<2x5000x128xf32>
    %mul3A_26 = arith.mulf %sub3A_19, %mul3A_25 : vector<2x5000x128xf32>
    %get3A_27 = arith.constant 0 : index
    %get3A_28 = arith.constant 0 : index
    %get3A_29 = arith.constant 0 : index
    %get3A_30 = vector.load %arg5[%get3A_27, %get3A_28, %get3A_29] : memref<2x1x128xf32, #tpu.memory_space<vmem>>, vector<2x1x128xf32>
    %add3A_31 = vector.broadcast %get3A_30 : vector<2x1x128xf32> to vector<2x5000x128xf32>
    %add3A_32 = arith.addf %mul3A_26, %add3A_31 : vector<2x5000x128xf32>
    %max3A = arith.constant 0.000000e+00 : f32
    %max3A_33 = vector.broadcast %max3A : f32 to vector<2x5000x128xf32>
    %max3A_34 = arith.maximumf %add3A_32, %max3A_33 : vector<2x5000x128xf32>
    %get3A_35 = arith.constant 0 : index
    %get3A_36 = arith.constant 0 : index
    %get3A_37 = vector.load %arg6[%get3A_35, %get3A_36] : memref<5000x256xf32, #tpu.memory_space<vmem>>, vector<5000x256xf32>
    %slice3A = vector.extract_strided_slice %max3A_34 {offsets = [0, 0, 0], sizes = [1, 5000, 128], strides = [1, 1, 1]} : vector<2x5000x128xf32> to vector<1x5000x128xf32>
    %squeeze3A = vector.shape_cast %slice3A : vector<1x5000x128xf32> to vector<5000x128xf32>
    %slice3A_38 = vector.extract_strided_slice %max3A_34 {offsets = [1, 0, 0], sizes = [1, 5000, 128], strides = [1, 1, 1]} : vector<2x5000x128xf32> to vector<1x5000x128xf32>
    %squeeze3A_39 = vector.shape_cast %slice3A_38 : vector<1x5000x128xf32> to vector<5000x128xf32>
    %concatenate3A = tpu.concatenate %squeeze3A, %squeeze3A_39 in 1 : vector<5000x128xf32>, vector<5000x128xf32> -> vector<5000x256xf32>
    %add3A_40 = arith.addf %get3A_37, %concatenate3A : vector<5000x256xf32>
    %swap3A = arith.constant 0 : index
    %swap3A_41 = arith.constant 0 : index
    %swap3A_42 = vector.load %arg7[%swap3A, %swap3A_41] : memref<5000x256xf32, #tpu.memory_space<vmem>>, vector<5000x256xf32>
    tpu.vector_store %arg7[%swap3A, %swap3A_41], %add3A_40 {strides = array<i32>} : memref<5000x256xf32, #tpu.memory_space<vmem>>, vector<5000x256xf32>,
    return
  }
  func.func @transform_0(%arg0: i32) -> (i32, i32, i32) {
    %c0_i32 = arith.constant 0 : i32
    %c0_i32_0 = arith.constant 0 : i32
    %c0_i32_1 = arith.constant 0 : i32
    return %c0_i32, %arg0, %c0_i32_0 : i32, i32, i32
  }
  func.func @transform_1(%arg0: i32) -> (i32, i32, i32) {
    %c0_i32 = arith.constant 0 : i32
    %c0_i32_0 = arith.constant 0 : i32
    %c0_i32_1 = arith.constant 0 : i32
    %c0_i32_2 = arith.constant 0 : i32
    return %c0_i32, %c0_i32_0, %c0_i32_1 : i32, i32, i32
  }
  func.func @transform_2(%arg0: i32) -> (i32, i32, i32) {
    %c0_i32 = arith.constant 0 : i32
    %c0_i32_0 = arith.constant 0 : i32
    %c0_i32_1 = arith.constant 0 : i32
    %c0_i32_2 = arith.constant 0 : i32
    return %c0_i32, %c0_i32_0, %c0_i32_1 : i32, i32, i32
  }
  func.func @transform_3(%arg0: i32) -> (i32, i32, i32) {
    %c0_i32 = arith.constant 0 : i32
    %c0_i32_0 = arith.constant 0 : i32
    %c0_i32_1 = arith.constant 0 : i32
    %c0_i32_2 = arith.constant 0 : i32
    return %c0_i32, %c0_i32_0, %c0_i32_1 : i32, i32, i32
  }
  func.func @transform_4(%arg0: i32) -> (i32, i32, i32) {
    %c0_i32 = arith.constant 0 : i32
    %c0_i32_0 = arith.constant 0 : i32
    %c0_i32_1 = arith.constant 0 : i32
    %c0_i32_2 = arith.constant 0 : i32
    return %c0_i32, %c0_i32_0, %c0_i32_1 : i32, i32, i32
  }
  func.func @transform_5(%arg0: i32) -> (i32, i32) {
    %c0_i32 = arith.constant 0 : i32
    %c0_i32_0 = arith.constant 0 : i32
    return %arg0, %c0_i32 : i32, i32
  }
  func.func @transform_6(%arg0: i32) -> (i32, i32) {
    %c0_i32 = arith.constant 0 : i32
    %c0_i32_0 = arith.constant 0 : i32
    return %arg0, %c0_i32 : i32, i32
  }
}

</mosaic_0001>

<sc_bundles>
// kernel: kernel.7.cloned.1.call-start
scs
__scs_entry_jumppad:
0x0: {  	(pc) =	sbr.rel $0x88, $3  }
0x1: {  	(tag) =	ssettag $0x0;
	lr =	simm.s32 $0x1  }
0x2: {  	[smem:$0x3F98] =	sst lr;
	_ =	strace $0xD0000000  }
0x3: {  	_ = 	snop  }
0x4: {  	_ = 	snop  }
0x5: {  	_ = 	snop  }
0x6: {  	_ = 	snop  }
0x7: {  	_ = 	snop  }
__scs_overlays_trampoline_lowered:
0x8: {  	[smem:$0x3FA7] =	sst s0  }
0x9: {  	[smem:$0x3FA8] =	sst s1  }
0xa: {  	[smem:$0x3FA9] =	sst s2  }
0xb: {  	[smem:$0x3FAA] =	sst s3  }
0xc: {  	[smem:$0x3FAB] =	sst s4  }
0xd: {  	[smem:$0x3FAC] =	sst s5  }
0xe: {  	[smem:$0x3FAD] =	sst s6  }
0xf: {  	[smem:$0x3FAE] =	sst s7  }
0x10: {  	[smem:$0x3FAF] =	sst s8  }
0x11: {  	[smem:$0x3FB0] =	sst s9;
	s0 =	simm.s32 @!p0 $0x0  }
0x12: {  	s1 =	sld [smem:$0x3F96];
	s0 =	simm.s32 @p0 $0x1  }
0x13: {  	[smem:$0x3FB1] =	sst s0;
	s0 =	simm.s32 @!p1 $0x0  }
0x14: {  	s2 =	sld [smem:$0x3F95];
	s0 =	simm.s32 @p1 $0x1  }
0x15: {  	[smem:$0x3FB2] =	sst s0;
	s0 =	simm.s32 @!p2 $0x0  }
0x16: {  	s3 =	sld [smem:$0x3FDB];
	s0 =	simm.s32 @p2 $0x1  }
0x17: {  	s4 =	simm.s32 $0x1BF5;
	[smem:$0x3FB4] =	sst s0  }
0x18: {  	s0 =	sld [smem:$0x3F97];
	_ =	swait.ge [sflag:s4], $0x0  }
0x19: {  	s7 =	sld [smem:$0x3F98]  }
0x1a: {  	s8 =	sadd.s32 $0xFFFFE003, lr  }
0x1b: {  	s9 =	sadd.s32 $0xFFFFFEF7, lr;
	s5 =	simm.s32 $0xFFFFFFFF;
	p2 =	slt.u32 s8, $0xFFFFF086  }
0x1c: {  	p1 =	slt.u32 s9, $0xF7A;
	s5 =	simm.s32 @!p2 $0x0  }
0x1d: {  	s5 =	simm.s32 @p1 $0x1;
	p0 =	seq.s32 s7, s2  }
0x1e: {  	s7 =	smul.u32 @!p0 $0xF7A, s2;
	p2 =	seq.s32 @!p0 s5, $0x0  }
0x1f: {  	s9 =	smul.u32 $0xF7A, s1;
	s8 =	simm.s32 @!p0 $0x1BF5;
	p2 =	por !p2, p0  }
0x20: {  	[sflag:s8] =	ssyncset.s32 @!p0 $0xFFFFF086;
	s6 =	sadd.s32 @!p0 s3, s7;
	s7 =	simm.s32 @!p0 $0x108  }
0x21: {  	s3 =	sadd.s32 s3, s9;
	s6 =	sadd.s32 @!p0 $0x88, s6;
	s7 =	simm.s32 @p2 $0x1082  }
0x22: {  	[simem:s7], [sflag:s8] =	dma.local @!p0 [hbm:s6], $0xF7A  }
0x23: {  	s9 =	sor.u32 $0xD0000000, s2;
	s6 =	simm.s32 $0x108;
	_ =	swait.ge @!p0 [sflag:s8], $0x0  }
0x24: {  	s3 =	sadd.s32 $0x88, s3;
	s6 =	simm.s32 @!p1 $0x1082;
	[sflag:s4] =	ssyncset.s32 $0xFFFFF086  }
0x25: {  	[simem:s6], [sflag:s4] =	dma.local [hbm:s3], $0xF7A  }
0x26: {  	[smem:$0x3F98] =	sst s1;
	(tag) =	ssettag s2;
	_ =	strace s9  }
0x27: {  	s1 =	sld [smem:$0x3FA8]  }
0x28: {  	s2 =	sld [smem:$0x3FA9]  }
0x29: {  	s4 =	sld [smem:$0x3FAB]  }
0x2a: {  	p0 =	seq.s32 s5, $0x0;
	s5 =	sld [smem:$0x3FAC]  }
0x2b: {  	s6 =	sld [smem:$0x3FAD]  }
0x2c: {  	s7 =	sld [smem:$0x3FAE]  }
0x2d: {  	s3 =	simm.s32 $0x108;
	s8 =	sld [smem:$0x3FAF]  }
0x2e: {  	s3 =	simm.s32 @!p0 $0x1082;
	s9 =	sld [smem:$0x3FB0]  }
0x2f: {  	lr =	sadd.s32 s0, s3;
	s0 =	sld [smem:$0x3FA7]  }
0x30: {  	s3 =	sld [smem:$0x3FAA]  }
0x31: {  	[smem:$0x3FB3] =	sst s10  }
0x32: {  	s10 =	sld [smem:$0x3FB1];
	_ =	sdelay $0x3  }
0x33: {  	p0 =	seq.s32 s10, $0x1;
	s10 =	sld [smem:$0x3FB3];
	_ =	sdelay $0x3  }
0x34: {  	[smem:$0x3FB3] =	sst s10  }
0x35: {  	s10 =	sld [smem:$0x3FB2];
	_ =	sdelay $0x3  }
0x36: {  	p1 =	seq.s32 s10, $0x1;
	s10 =	sld [smem:$0x3FB3];
	_ =	sdelay $0x3  }
0x37: {  	[smem:$0x3FB3] =	sst s10  }
0x38: {  	s10 =	sld [smem:$0x3FB4]  }
0x39: {  	_ = 	snop;
	(pc) =	sbr.ind lr, $3  }
0x3a: {  	_ = 	snop  }
0x3b: {  	_ = 	snop  }
0x3c: {  	p2 =	seq.s32 s10, $0x1;
	s10 =	sld [smem:$0x3FB3]  }
0x3d: {  	_ =	shalt  }
0x3e: {  	_ =	shalt  }
0x3f: {  	_ =	shalt  }
0x40: {  	_ =	shalt  }
0x41: {  	_ =	shalt  }
0x42: {  	_ =	shalt  }
0x43: {  	_ =	shalt  }
0x44: {  	_ =	shalt  }
0x45: {  	_ =	shalt  }
0x46: {  	_ =	shalt  }
0x47: {  	_ =	shalt  }
0x48: {  	_ =	shalt  }
0x49: {  	_ =	shalt  }
0x4a: {  	_ =	shalt  }
0x4b: {  	_ =	shalt  }
0x4c: {  	_ =	shalt  }
0x4d: {  	_ =	shalt  }
0x4e: {  	_ =	shalt  }
0x4f: {  	_ =	shalt  }
0x50: {  	_ =	shalt  }
0x51: {  	_ =	shalt  }
0x52: {  	_ =	shalt  }
0x53: {  	_ =	shalt  }
0x54: {  	_ =	shalt  }
0x55: {  	_ =	shalt  }
0x56: {  	_ =	shalt  }
0x57: {  	_ =	shalt  }
0x58: {  	_ =	shalt  }
0x59: {  	_ =	shalt  }
0x5a: {  	_ =	shalt  }
0x5b: {  	_ =	shalt  }
0x5c: {  	_ =	shalt  }
0x5d: {  	_ =	shalt  }
0x5e: {  	_ =	shalt  }
0x5f: {  	_ =	shalt  }
0x60: {  	_ =	shalt  }
0x61: {  	_ =	shalt  }
0x62: {  	_ =	shalt  }
0x63: {  	_ =	shalt  }
0x64: {  	_ =	shalt  }
0x65: {  	_ =	shalt  }
0x66: {  	_ =	shalt  }
0x67: {  	_ =	shalt  }
0x68: {  	_ =	shalt  }
0x69: {  	_ =	shalt  }
0x6a: {  	_ =	shalt  }
0x6b: {  	_ =	shalt  }
0x6c: {  	_ =	shalt  }
0x6d: {  	_ =	shalt  }
0x6e: {  	_ =	shalt  }
0x6f: {  	_ =	shalt  }
0x70: {  	_ =	shalt  }
0x71: {  	_ =	shalt  }
0x72: {  	_ =	shalt  }
0x73: {  	_ =	shalt  }
0x74: {  	_ =	shalt  }
0x75: {  	_ =	shalt  }
0x76: {  	_ =	shalt  }
0x77: {  	_ =	shalt  }
0x78: {  	_ =	shalt  }
0x79: {  	_ =	shalt  }
0x7a: {  	_ =	shalt  }
0x7b: {  	_ =	shalt  }
0x7c: {  	_ =	shalt  }
0x7d: {  	_ =	shalt  }
0x7e: {  	_ =	shalt  }
0x7f: {  	_ =	shalt  }
0x80: {  	_ =	shalt  }
0x81: {  	_ =	shalt  }
0x82: {  	_ =	shalt  }
0x83: {  	_ =	shalt  }
0x84: {  	_ =	shalt  }
0x85: {  	_ =	shalt  }
0x86: {  	_ =	shalt  }
0x87: {  	_ =	shalt  }
.Lfunc_end0:
.L_simem_size_0:
called_computation_lowered:
.L_overlay_start_0:
0x88: {  	s2 =	sld [smem:$0x3FD9]  }
0x89: {  	s3 =	sld [smem:$0x3FFE];
	_ =	sdelay $0x1  }
0x8a: {  	s1 =	srdreg.scid  }
0x8b: {  	s0 =	sand.u32 $0x1, s1  }
0x8c: {  	s14 =	sshll.u32 s0, $0xA;
	s2 =	sadd.s32 s3, s2  }
0x8d: {  	s2 =	sadd.s32 s2, s14  }
0x8e: {  	[smem:$0x3FBF] =	sst s2  }
0x8f: {  	_ = 	snop  }
0x90: {  	s2 =	sld [smem:$0x3FD0];
	_ =	sdelay $0x2  }
0x91: {  	s15 =	simm.s32 $0xA;
	s4 =	simm.s32 $0x10  }
0x92: {  	[smem:s4], [sflag:s15] =	dma.local [hbm:s2], $0x1  }
0x93: {  	_ =	swait.eq [sflag:s15], $0x1  }
0x94: {  	[sflag:s15] =	ssyncset.done $0x0  }
0x95: {  	s16 =	sld [smem:$0x10];
	[sflag:s15] =	ssyncadd.s32 $0xFFFFFFFF  }
0x96: {  	s17 =	sld [smem:$0x11];
	(tm) =	ssettm $0x1  }
0x97: {  	s18 =	sld [smem:$0x3FFB];
	_ =	sdelay $0x3  }
0x98: {  	_ =	strace s18  }
0x99: {  	s4 =	sld [smem:$0x3FFC];
	_ =	sdelay $0x3  }
0x9a: {  	_ =	strace s4  }
0x9b: {  	s4 =	sld [smem:$0x3FFD];
	_ =	sdelay $0x3  }
0x9c: {  	_ =	strace s4  }
0x9d: {  	_ =	strace $0x8FFFFFFF  }
0x9e: {  	s19 =	sld [smem:$0x3FDB];
	_ =	sdelay $0x1  }
0x9f: {  	s5 =	simm.s32 $_scs_section_size  }
0xa0: {  	s6 =	simm.s32 $_size__tile_overlayer_lowered;
	s7 =	simm.s32 $_tile_overlayer_lowered  }
0xa1: {  	s22 =	simm.s32 $0x1BFF;
	s21 =	sshll.u32 s7, $0x1;
	s4 =	sadd.s32 s5, s19  }
0xa2: {  	s8 =	simm.s32 $0x0;
	s20 =	sshll.u32 s6, $0x1;
	s6 =	sadd.s32 s21, s4  }
0xa3: {  	[timem:s8], [sflag:s22] =	dma.local [hbm:s6], s20  }
0xa4: {  	_ =	swait.ge [sflag:s22], s20  }
0xa5: {  	s5 =	ssub.s32 $0x0, s20;
	[sflag:s22] =	ssyncset.done $0x0  }
0xa6: {  	[sflag:s22] =	ssyncadd.s32 s5;
	_ =	sdelay $0x1  }
0xa7: {  	s23 =	simm.s32 $0x1B8B  }
0xa8: {  	_ =	swait.ge [sflag:s23], $0x1  }
0xa9: {  	[sflag:s23] =	ssyncset.done $0x0  }
0xaa: {  	s25 =	simm.s32 $0x1B8E;
	s24 =	sld [smem:$0x3FFE];
	[sflag:s23] =	ssyncadd.s32 $0xFFFFFFFF  }
0xab: {  	s26 =	simm.s32 $execute0_lowered;
	[smem:$0x3FD2] =	sst s25  }
0xac: {  	s6 =	sshll.u32 s26, $0x1;
	_ =	strace $0x80000046;
	[dreg:$0x1] =	wrdreg $0xFFFFFFFF  }
0xad: {  	s28 =	simm.s32 $_size_execute0_lowered;
	s4 =	sadd.s32 s4, s6;
	[dreg:$0x0] =	wrdreg $0x0  }
0xae: {  	s6 =	sshll.u32 s28, $0x1;
	[dreg:$0x2] =	wrdreg s4  }
0xaf: {  	[dreg:$0x3] =	wrdreg s6  }
0xb0: {  	[dreg:$0x4] =	wrdreg $0xC0  }
0xb1: {  	_ =	task [dreg:s8], $0x5FFFF  }
0xb2: {  	[dreg:$0x1] =	wrdreg $0xFFFFFFFF  }
0xb3: {  	[dreg:$0x0] =	wrdreg $0x60  }
0xb4: {  	[dreg:$0x2] =	wrdreg s17  }
0xb5: {  	[dreg:$0x3] =	wrdreg s24  }
0xb6: {  	[dreg:$0x4] =	wrdreg s16  }
0xb7: {  	[dreg:$0x5] =	wrdreg $0x84000  }
0xb8: {  	[dreg:$0x6] =	wrdreg $0x9  }
0xb9: {  	_ =	task.clear_ibuf [dreg:s8], $0x7FFFF;
	_ =	strace $0x90000046  }
0xba: {  	s29 =	simm.s32 $0x9;
	_ =	strace $0x80000048  }
0xbb: {  	_ =	swait.ge [sflag:s29], $0x1  }
0xbc: {  	[sflag:s29] =	ssyncadd.s32 $0xFFFFFFFF  }
0xbd: {  	_ =	strace $0x90000048  }
0xbe: {  	_ =	sfence  }
0xbf: {  	s30 =	sld [smem:$0x0];
	_ =	sdelay $0x2  }
0xc0: {  	s31 =	sshll.u32 s1, $0xD;
	s1 =	sshrl.u32 s1, $0x2  }
0xc1: {  	s3 =	sand.u32 $0x4000, s31;
	s1 =	sadd.s32 s1, s30  }
0xc2: {  	s0 =	sor.u32 s3, s0;
	s1 =	sshll.u32 s1, $0x11  }
0xc3: {  	s0 =	sor.u32 s1, s0  }
0xc4: {  	s0 =	sadd.s32 $0x8F2B, s0  }
0xc5: {  	[sflag:s0] =	ssyncadd.remote.s32 $0x1  }
0xc6: {  	_ =	sfence.sel $0xFFFF  }
0xc7: {  	[dreg:$0x0] =	wrdreg $0xFFFFFFFF;
	(pc) =	sbr.abs _section_cstart, $3  }
0xc8: {  	[dreg:$0x1] =	wrdreg $0xFFFFFFFF  }
0xc9: {  	_ =	task.clear_ibuf [dreg:s8], $0x2FFFF;
	_ =	strace $0x9FFFFFFF  }
0xca: {  	(tm) =	ssettm $0x7FFFFFFF  }
0xcb: {  	_ =	shalt  }
tec
execute0_lowered:
.L_overlay_start_1:
0x0: {  	(tag) =	ssettag $0x1  }
0x1: {  	s1 =	rddreg [dreg:$0x0]  }
0x2: {  	s0 =	rddreg [dreg:$0x1]  }
0x3: {  	s2 =	srdreg.scid;
	s6 =	rddreg [dreg:$0x2]  }
0x4: {  	s14 =	stileid.u32;
	s3 =	rddreg [dreg:$0x3]  }
0x5: {  	s4 =	simm.s32 $0x0;
	s15 =	simm.s32 $0x200;
	s16 =	simm.s32 $0x300  }
0x6: {  	s18 =	simm.s32 $0x7;
	s19 =	simm.s32 $0x80;
	s9 =	smul.u32 $0x13C00, s14  }
0x7: {  	s20 =	simm.s32 $0x400;
	s21 =	simm.s32 $0x1;
	s8 =	smul.u32 $0x4F, s14  }
0x8: {  	s28 =	simm.s32 $0x280;
	s29 =	simm.s32 $0x6;
	s12 =	smul.u32 $0x4F000, s14  }
0x9: {  	s2 =	sand.u32 $0x1, s2;
	s26 =	sshll.u32 s14, $0x6;
	s14 =	smul.u32 $0x9E0, s14  }
0xa: {  	s30 =	simm.s32 $0x380;
	s31 =	simm.s32 $0x3;
	s5 =	smul.u32 $0x13C000, s2  }
0xb: {  	[smem:$0x7FF] =	sst s4;
	s11 =	sadd.s32 $0x2A00, s0;
	s7 =	smul.u32 $0x4F0, s2  }
0xc: {  	_ =	strace $0x80000047;
	s10 =	ssub.s32 $0x2, s2;
	s2 =	smul.u32 $0x9E00, s2  }
0xd: {  	s22 =	sshrl.u32 s10, $0x1;
	s24 =	sshrl.u32 s12, $0x2;
	s5 =	sadd.s32 s9, s5  }
0xe: {  	s7 =	sadd.s32 s8, s7;
	s13 =	ssub.s32 s10, s22;
	s17 =	sadd.s32 s24, s3  }
0xf: {  	s9 =	sshrl.u32 s9, $0x3;
	s10 =	sor.u32 $0x1C07, s26;
	s2 =	sadd.s32 s2, s11  }
0x10: {  	s22 =	simm.s32 $0x4;
	s24 =	simm.s32 $0x2;
	s26 =	simm.s32 $0x5  }
0x11: {  	s5 =	sshrl.u32 s5, $0x3;
	s7 =	sshll.u32 s7, $0x5;
	s6 =	sadd.s32 s6, s9  }
0x12: {  	s12 =	smax.u32 s13, $0x1;
	s13 =	sadd.s32 s14, s2;
	s14 =	simm.s32 $0x100  }
.Ltmp0:
0x13: {  	s0 =	sadd.s32 s5, s0;
	s5 =	sadd.s32 s11, s7;
	(pc) =	sbr.rel .LBB2_1-.Ltmp0, $4  }
0x14: {  	s17 =	sshrl.u32 s17, $0x3;
	[dreg:$0x8] =	wrdreg s6;
	s7 =	sadd.s32 $0x20, s5  }
0x15: {  	s2 =	simm.s32 $0x0;
	s23 =	sadd.s32 $0x40, s5;
	[dreg:$0x5] =	wrdreg s7  }
0x16: {  	s25 =	sadd.s32 $0x60, s5;
	s11 =	sadd.s32 $0x16600, s0;
	[dreg:$0x6] =	wrdreg s23  }
0x17: {  	[dreg:$0x7] =	wrdreg s25;
	s23 =	simm.s32 $0x4400;
	s25 =	simm.s32 $0x180  }
.LBB2_4:
0x18: {  	[spmem:s3] =	stream.indirect.scatter.add.f32 [tilespmem:s20], [sflag:$0x2], $0x80, s28, s19, $0xb8;
	[tilespmem:$0x1C000] =	vst v63  }
0x19: {  	_ =	swait.ge [sflag:s24], $0x4000  }
0x1a: {  	s2 =	sadd.s32 $0x1, s2;
	[sflag:s24] =	ssyncset.done $0x0  }
0x1b: {  	p0 =	sne.s32 s2, s12;
	[sflag:s24] =	ssyncadd.s32 $0xFFFFC000  }
.Ltmp1:
0x1c: {  	[bflag:$0x0] =	sbarrier.arrive $0xFFFF;
	(pc) =	sbr.rel @!p0 .LBB2_5-.Ltmp1, $4  }
0x1d: {  	[hbm:s11], [sflag:s10] =	dma.local [spmem:s17], $0x2780  }
0x1e: {  	_ =	swait.ge [sflag:s18], $0x2780  }
0x1f: {  	[sflag:s18] =	ssyncset.done $0x0  }
0x20: {  	[sflag:s18] =	ssyncadd.s32 $0xFFFFD880  }
.LBB2_1:
0x21: {  	[tilespmem:s4], [sflag:$0x3] =	stream.linear.gather [hbm4b:s5+s4], $0x100, $0x38;
	[tilespmem:$0x1C000] =	vst v63  }
0x22: {  	s0 =	rddreg [dreg:$0x5]  }
0x23: {  	s7 =	rddreg [dreg:$0x6]  }
0x24: {  	[tilespmem:s14], [sflag:$0x4] =	stream.linear.gather [hbm4b:s0+s4], $0x100, $0x38;
	[tilespmem:$0x1C000] =	vst v63  }
0x25: {  	s8 =	rddreg [dreg:$0x7]  }
0x26: {  	[tilespmem:s15], [sflag:$0x5] =	stream.linear.gather [hbm4b:s7+s4], $0x100, $0x38;
	[tilespmem:$0x1C000] =	vst v63  }
0x27: {  	s9 =	rddreg [dreg:$0x8]  }
0x28: {  	[tilespmem:s16], [sflag:$0x6] =	stream.linear.gather [hbm4b:s8+s4], $0x100, $0x38;
	[tilespmem:$0x1C000] =	vst v63  }
0x29: {  	[spmem:s17], [sflag:s10] =	dma.local [hbm:s9], $0x2780  }
0x2a: {  	_ =	swait.ge [sflag:s18], $0x2780  }
0x2b: {  	[sflag:s18] =	ssyncset.done $0x0  }
0x2c: {  	[sflag:s18] =	ssyncadd.s32 $0xFFFFD880  }
0x2d: {  	_ =	swait.ge [sflag:s31], $0x100  }
0x2e: {  	[sflag:s31] =	ssyncset.done $0x0  }
0x2f: {  	[sflag:s31] =	ssyncadd.s32 $0xFFFFFF00  }
0x30: {  	[tilespmem:s20], [sflag:$0x1] =	stream.indirect.gather [hbm4b:s1+s19], $0x80, s4, s19, $0xb8;
	[tilespmem:$0x1C000] =	vst v63  }
0x31: {  	s6 =	simm.s32 $0x0;
	s0 =	simm.s32 $0x3;
	[bflag:$0x0] =	sbarrier.arrive $0xFFFF  }
.LBB2_2:
0x32: {  	_ =	swait.ge [sflag:s21], $0x4000  }
0x33: {  	p0 =	seq.s32 s6, $0x0;
	[sflag:s21] =	ssyncset.done $0x0  }
0x34: {  	s7 =	simm.s32 @!p0 $0x2;
	[sflag:s21] =	ssyncadd.s32 $0xFFFFC000  }
0x35: {  	p1 =	sgt.u32 @!p0 s0, $0x4E;
	_ =	swait.ge @!p0 [sflag:s7], $0x4000  }
0x36: {  	p1 =	por p1, p0;
	[sflag:s7] =	ssyncset.done @!p0 $0x0  }
0x37: {  	[sflag:s7] =	ssyncadd.s32 @!p0 $0xFFFFC000;
	s7 =	sadd.s32 @!p1 s6, s13  }
0x38: {  	s8 =	simm.s32 @!p1 $0x0;
	s9 =	simm.s32 @!p1 $0x300;
	s7 =	sadd.s32 @!p1 $0x60, s7  }
0x39: {  	[tilespmem:s9], [sflag:$0x6] =	stream.linear.gather @!p1 [hbm4b:s7+s8], $0x100, $0x38;
	[tilespmem:$0x1C000] =	vst v63  }
0x3a: {  	_ = 	snop  }
0x3b: {  	[spmem:s3] =	stream.indirect.scatter.add.f32 [tilespmem:s20], [sflag:$0x2], $0x80, s19, s19, $0xb8;
	[tilespmem:$0x1C000] =	vst v63  }
0x3c: {  	_ =	swait.ge [sflag:s22], $0x100  }
0x3d: {  	[sflag:s22] =	ssyncset.done $0x0  }
0x3e: {  	[sflag:s22] =	ssyncadd.s32 $0xFFFFFF00  }
0x3f: {  	[tilespmem:s23], [sflag:$0x1] =	stream.indirect.gather [hbm4b:s1+s19], $0x80, s14, s19, $0xb8;
	[tilespmem:$0x1C000] =	vst v63  }
0x40: {  	_ =	swait.ge [sflag:s21], $0x4000  }
0x41: {  	[sflag:s21] =	ssyncset.done $0x0  }
0x42: {  	[sflag:s21] =	ssyncadd.s32 $0xFFFFC000  }
0x43: {  	p0 =	seq.s32 s6, $0x980;
	_ =	swait.ge [sflag:s24], $0x4000  }
0x44: {  	s7 =	sadd.s32 @!p0 s6, s13;
	[sflag:s24] =	ssyncset.done $0x0  }
0x45: {  	s8 =	simm.s32 @!p0 $0x0;
	s7 =	sadd.s32 @!p0 $0x80, s7;
	[sflag:s24] =	ssyncadd.s32 $0xFFFFC000  }
0x46: {  	[tilespmem:s8], [sflag:$0x3] =	stream.linear.gather @!p0 [hbm4b:s7+s8], $0x100, $0x38;
	[tilespmem:$0x1C000] =	vst v63  }
0x47: {  	_ = 	snop  }
0x48: {  	[spmem:s3] =	stream.indirect.scatter.add.f32 [tilespmem:s23], [sflag:$0x2], $0x80, s25, s19, $0xb8;
	[tilespmem:$0x1C000] =	vst v63  }
0x49: {  	_ =	swait.ge [sflag:s26], $0x100  }
0x4a: {  	[sflag:s26] =	ssyncset.done $0x0  }
0x4b: {  	[sflag:s26] =	ssyncadd.s32 $0xFFFFFF00  }
0x4c: {  	[tilespmem:s20], [sflag:$0x1] =	stream.indirect.gather [hbm4b:s1+s19], $0x80, s15, s19, $0xb8;
	[tilespmem:$0x1C000] =	vst v63  }
0x4d: {  	_ =	swait.ge [sflag:s21], $0x4000  }
.Ltmp2:
0x4e: {  	[sflag:s21] =	ssyncset.done $0x0;
	(pc) =	sbr.rel @p0 .LBB2_4-.Ltmp2, $4  }
0x4f: {  	[sflag:s21] =	ssyncadd.s32 $0xFFFFC000  }
0x50: {  	_ =	swait.ge [sflag:s24], $0x4000  }
0x51: {  	[sflag:s24] =	ssyncset.done $0x0  }
0x52: {  	[sflag:s24] =	ssyncadd.s32 $0xFFFFC000  }
0x53: {  	s7 =	sadd.s32 s6, s13  }
0x54: {  	s8 =	sadd.s32 $0xA0, s7  }
0x55: {  	[tilespmem:s14], [sflag:$0x4] =	stream.linear.gather [hbm4b:s8+s4], $0x100, $0x38;
	[tilespmem:$0x1C000] =	vst v63  }
0x56: {  	_ = 	snop  }
0x57: {  	[spmem:s3] =	stream.indirect.scatter.add.f32 [tilespmem:s20], [sflag:$0x2], $0x80, s28, s19, $0xb8;
	[tilespmem:$0x1C000] =	vst v63  }
0x58: {  	_ =	swait.ge [sflag:s29], $0x100  }
0x59: {  	[sflag:s29] =	ssyncset.done $0x0  }
0x5a: {  	[sflag:s29] =	ssyncadd.s32 $0xFFFFFF00  }
0x5b: {  	[tilespmem:s23], [sflag:$0x1] =	stream.indirect.gather [hbm4b:s1+s19], $0x80, s16, s19, $0xb8;
	[tilespmem:$0x1C000] =	vst v63  }
0x5c: {  	_ =	swait.ge [sflag:s21], $0x4000  }
0x5d: {  	[sflag:s21] =	ssyncset.done $0x0  }
0x5e: {  	[sflag:s21] =	ssyncadd.s32 $0xFFFFC000  }
0x5f: {  	_ =	swait.ge [sflag:s24], $0x4000  }
0x60: {  	[sflag:s24] =	ssyncset.done $0x0  }
0x61: {  	s7 =	sadd.s32 $0xC0, s7;
	[sflag:s24] =	ssyncadd.s32 $0xFFFFC000  }
0x62: {  	[tilespmem:s15], [sflag:$0x5] =	stream.linear.gather [hbm4b:s7+s4], $0x100, $0x38;
	[tilespmem:$0x1C000] =	vst v63  }
0x63: {  	_ = 	snop  }
0x64: {  	[spmem:s3] =	stream.indirect.scatter.add.f32 [tilespmem:s23], [sflag:$0x2], $0x80, s30, s19, $0xb8;
	[tilespmem:$0x1C000] =	vst v63  }
.Ltmp3:
0x65: {  	_ = 	snop;
	(pc) =	sbr.rel .LBB2_2-.Ltmp3, $4  }
0x66: {  	_ =	swait.ge [sflag:s31], $0x100  }
0x67: {  	[sflag:s31] =	ssyncset.done $0x0  }
0x68: {  	s6 =	sadd.s32 $0x80, s6;
	s0 =	sadd.s32 $0x4, s0;
	[sflag:s31] =	ssyncadd.s32 $0xFFFFFF00  }
0x69: {  	[tilespmem:s20], [sflag:$0x1] =	stream.indirect.gather [hbm4b:s1+s19], $0x80, s4, s19, $0xb8;
	[tilespmem:$0x1C000] =	vst v63  }
.LBB2_5:
0x6a: {  	_ =	sfence.sel $0x180000  }
0x6b: {  	[bflag:$0x0] =	sbarrier.arrive $0xFFFF  }
0x6c: {  	_ =	strace $0x90000047  }
0x6d: {  	s0 =	stileid.u32;
	[bflag:$0x2] =	sbarrier.arrive $0xFFFF  }
0x6e: {  	p0 =	sne.s32 s0, $0x0;
	s0 =	rddreg [dreg:$0x4]  }
0x6f: {  	s0 =	sadd.s32 @!p0 $0x100000, s0  }
0x70: {  	[sflag:s0] =	ssyncadd.tile.s32 @!p0 $0x1;
	_ =	shalt  }
.Lfunc_end2:
_tile_overlayer_lowered:
.L_overlay_start_2:
0x71: {  	(tag) =	ssettag $0x2  }
0x72: {  	s0 =	rddreg [dreg:$0x0];
	s2 =	stileid.u32  }
0x73: {  	s1 =	rddreg [dreg:$0x1];
	p0 =	sne.s32 s2, $0x0  }
0x74: {  	s3 =	rddreg [dreg:$0x2];
	[bflag:$0x3] =	sbarrier.arrive $0xFFFF;
	s2 =	simm.s32 @!p0 $0x1C07  }
0x75: {  	[timem:s3], [sflag:s2] =	dma.local @!p0 [hbm:s0], s1  }
0x76: {  	s0 =	simm.s32 @!p0 $0x7  }
0x77: {  	_ =	swait.ge @!p0 [sflag:s0], s1  }
0x78: {  	s1 =	ssub.s32 @!p0 $0x0, s1;
	[sflag:s0] =	ssyncset.done @!p0 $0x0  }
0x79: {  	[sflag:s0] =	ssyncadd.s32 @!p0 s1  }
0x7a: {  	[bflag:$0x3] =	sbarrier.arrive $0xFFFF  }
0x7b: {  	_ =	shalt  }

</sc_bundles>
